<compile_context>
chip_gen: v7x
topology: tpu7x:2x2x1
jax: 0.10.2.dev20260603
libtpu: 0.0.44.dev20260713+nightly
codegen_flags: <defaults>
</compile_context>

<pallas_src>
import functools

import jax
import jax.numpy as jnp
from jax import lax
from jax.experimental import pallas as pl
from jax.experimental.pallas import tpu as pltpu
from jax.experimental.pallas import tpu_sc as plsc

_N = 10000
_E = 320000
_D = 128
_G = 64

_NC = 2
_NS = 16
_NW = _NC * _NS
_CK = 128
_CPW = 80
_NCHUNK = _CPW * _NW
_REAL = _E // _CK
_EPAD = _NCHUNK * _CK
_HCW = 40
_RPT = 624
_TAIL = _N - _RPT * _NS


def _agg_body(x_hbm, ei_hbm, out_hbm, src_v, dst_v, rows_a, rows_b,
              agg_sh, sem_a, sem_b):
    cid = lax.axis_index("c")
    sid = lax.axis_index("s")
    wid = sid * _NC + cid

    r0 = sid * _RPT
    pltpu.sync_copy(x_hbm.at[pl.ds(r0, _RPT)], agg_sh.at[pl.ds(r0, _RPT)])

    @pl.when(sid == _NS - 1)
    def _():
        pltpu.sync_copy(x_hbm.at[pl.ds(_RPT * _NS, _TAIL)],
                        agg_sh.at[pl.ds(_RPT * _NS, _TAIL)])

    plsc.subcore_barrier()

    lo = wid * _CPW
    n = jnp.minimum(_CPW, _REAL - lo)

    def half(h, carry):
        m = jnp.minimum(_HCW, n - h * _HCW)

        @pl.when(m > 0)
        def _():
            pltpu.sync_copy(ei_hbm.at[0, pl.ds(lo + h * _HCW, _HCW)], src_v)
            pltpu.sync_copy(ei_hbm.at[1, pl.ds(lo + h * _HCW, _HCW)], dst_v)
            pltpu.async_copy(x_hbm.at[src_v.at[0]], rows_a, sem_a)

            def body(i, carry2):
                j0 = 2 * i
                j1 = j0 + 1
                pltpu.async_copy(x_hbm.at[src_v.at[j1]], rows_b, sem_b)
                pltpu.make_async_copy(
                    x_hbm.at[src_v.at[j0]], rows_a, sem_a).wait()
                pltpu.sync_copy(rows_a, agg_sh.at[dst_v.at[j0]], add=True)

                @pl.when(j1 + 1 < m)
                def _():
                    pltpu.async_copy(
                        x_hbm.at[src_v.at[j1 + 1]], rows_a, sem_a)

                pltpu.make_async_copy(
                    x_hbm.at[src_v.at[j1]], rows_b, sem_b).wait()
                pltpu.sync_copy(rows_b, agg_sh.at[dst_v.at[j1]], add=True)
                return carry2

            lax.fori_loop(0, m // 2, body, 0)

        return carry

    lax.fori_loop(0, _CPW // _HCW, half, 0)

    plsc.subcore_barrier()

    pltpu.sync_copy(agg_sh.at[pl.ds(r0, _RPT)], out_hbm.at[cid, pl.ds(r0, _RPT)])

    @pl.when(sid == _NS - 1)
    def _():
        pltpu.sync_copy(agg_sh.at[pl.ds(_RPT * _NS, _TAIL)],
                        out_hbm.at[cid, pl.ds(_RPT * _NS, _TAIL)])


_agg_call = functools.partial(
    pl.kernel,
    mesh=plsc.VectorSubcoreMesh(
        core_axis_name="c", subcore_axis_name="s",
        num_cores=_NC, num_subcores=_NS,
    ),
    out_type=jax.ShapeDtypeStruct((_NC, _N, _D), jnp.float32),
    scratch_types=[
        pltpu.VMEM((_HCW, _CK), jnp.int32),
        pltpu.VMEM((_HCW, _CK), jnp.int32),
        pltpu.VMEM((_CK, _D), jnp.float32),
        pltpu.VMEM((_CK, _D), jnp.float32),
        pltpu.VMEM_SHARED((_N, _D), jnp.float32),
        pltpu.SemaphoreType.DMA,
        pltpu.SemaphoreType.DMA,
    ],
)(_agg_body)


_BLK = 2000


def _mlp_body(x_ref, a0_ref, a1_ref, batch_ref, w1_ref, b1_ref, w2_ref,
              b2_ref, wht_ref, bh_ref, glogit_ref, nlogit_ref):
    step = pl.program_id(0)
    def bdot(a, b):
        return jnp.dot(a.astype(jnp.bfloat16), b.astype(jnp.bfloat16),
                       preferred_element_type=jnp.float32)

    h = a0_ref[...] + a1_ref[...] - x_ref[...]
    h = jnp.maximum(bdot(h, w1_ref[...]) + b1_ref[...], 0.0)
    h = bdot(h, w2_ref[...]) + b2_ref[...]
    hb = h.astype(jnp.bfloat16).astype(jnp.float32)
    wb = wht_ref[...].astype(jnp.bfloat16).astype(jnp.float32)
    logit = jnp.sum(hb * wb, axis=1, keepdims=True) + bh_ref[...]
    nlogit_ref[...] = logit

    gids = lax.broadcasted_iota(jnp.int32, (_BLK, _G), 1)
    onehot = batch_ref[...] == gids
    contrib = jnp.sum(jnp.where(onehot, logit, 0.0), axis=0, keepdims=True)

    @pl.when(step == 0)
    def _():
        glogit_ref[...] = jnp.zeros_like(glogit_ref)

    glogit_ref[...] += contrib


_mlp_call = pl.pallas_call(
    _mlp_body,
    grid=(_N // _BLK,),
    in_specs=[
        pl.BlockSpec((_BLK, _D), lambda i: (i, 0)),
        pl.BlockSpec((_BLK, _D), lambda i: (i, 0)),
        pl.BlockSpec((_BLK, _D), lambda i: (i, 0)),
        pl.BlockSpec((_BLK, 1), lambda i: (i, 0)),
        pl.BlockSpec((_D, _D), lambda i: (0, 0)),
        pl.BlockSpec((1, _D), lambda i: (0, 0)),
        pl.BlockSpec((_D, _D), lambda i: (0, 0)),
        pl.BlockSpec((1, _D), lambda i: (0, 0)),
        pl.BlockSpec((1, _D), lambda i: (0, 0)),
        pl.BlockSpec((1, 1), lambda i: (0, 0)),
    ],
    out_specs=[
        pl.BlockSpec((1, _G), lambda i: (0, 0)),
        pl.BlockSpec((_BLK, 1), lambda i: (i, 0)),
    ],
    out_shape=[
        jax.ShapeDtypeStruct((1, _G), jnp.float32),
        jax.ShapeDtypeStruct((_N, 1), jnp.float32),
    ],
)


@jax.jit
def kernel(x, edge_index, batch, W1, b1, W2, b2, Wh, bh):
    pad = jnp.zeros((2, _EPAD - _E), jnp.int32)
    ei = jnp.concatenate([edge_index, pad], axis=1).reshape(2, _NCHUNK, _CK)
    agg2 = _agg_call(x, ei)
    glogit, nlogit = _mlp_call(
        x, agg2[0], agg2[1], batch.reshape(_N, 1),
        W1, b1.reshape(1, _D), W2, b2.reshape(1, _D),
        Wh.reshape(1, _D), bh.reshape(1, 1),
    )
    return glogit.reshape(_G, 1), nlogit

# --- scband reference (transcript-rebuilt; emitter-appended) ---
"""Pipeline reference for scband-gin-16758962389175 (READ-ONLY COPY).

The authoritative reference and input builder live on the scoring server;
editing this copy changes nothing except your own understanding.
"""

import jax, jax.numpy as jnp
import numpy as np

N = 10000
E = 320000
D = 128
H = 128
G = 64

def setup_inputs(seed: int = 0) -> dict:
    key = jax.random.key(seed)
    ks = jax.random.split(key, 10)
    x = jax.random.normal(ks[0], (N, D), dtype=jnp.float32)
    edge_index = jax.random.randint(ks[1], (2, E), 0, N, dtype=jnp.int32)
    batch = jnp.sort(jax.random.randint(ks[2], (N,), 0, G, dtype=jnp.int32))
    W1 = jax.random.normal(ks[3], (D, H), dtype=jnp.float32) * (1.0 / np.sqrt(D))
    b1 = jnp.zeros((H,), dtype=jnp.float32)
    W2 = jax.random.normal(ks[4], (H, H), dtype=jnp.float32) * (1.0 / np.sqrt(H))
    b2 = jnp.zeros((H,), dtype=jnp.float32)
    Wh = jax.random.normal(ks[5], (H, 1), dtype=jnp.float32) * (1.0 / np.sqrt(H))
    bh = jnp.zeros((1,), dtype=jnp.float32)
    return {"x": x, "edge_index": edge_index, "batch": batch,
            "W1": W1, "b1": b1, "W2": W2, "b2": b2, "Wh": Wh, "bh": bh}

def reference(x, edge_index, batch, W1, b1, W2, b2, Wh, bh):
    # GINConv: h = MLP((1 + eps) * x + sum_{j in N(i)} x_j), eps = 0
    src = edge_index[0]
    dst = edge_index[1]
    agg = jax.ops.segment_sum(jnp.take(x, src, axis=0), dst, num_segments=N)
    h = x + agg  # (1 + 0) * x + agg
    h = h @ W1 + b1
    h = jax.nn.relu(h)
    h = h @ W2 + b2
    node_logits = h @ Wh + bh
    # global_add_pool: sum node logits per graph id
    graph_logit = jax.ops.segment_sum(node_logits, batch, num_segments=G)
    return (graph_logit, node_logits)

if __name__ == "__main__":
    import jax
    _d = setup_inputs()
    print(jax.jit(kernel)(*tuple(_d.values())))

</pallas_src>

<mosaic_0001>
#map = affine_map<(d0, d1) -> (0, 0)>
#map1 = affine_map<(d0, d1) -> (0, 0, 0)>
module attributes {stable_mosaic.version = 14 : i64} {
  func.func @_agg_body(%arg0: i32, %arg1: i32, %arg2: memref<10000x128xf32, #tpu.memory_space<hbm>>, %arg3: memref<2x2560x128xi32, #tpu.memory_space<hbm>>, %arg4: memref<2x10000x128xf32, #tpu.memory_space<hbm>>, %arg5: memref<40x128xi32, #tpu.memory_space<vmem>>, %arg6: memref<40x128xi32, #tpu.memory_space<vmem>>, %arg7: memref<128x128xf32, #tpu.memory_space<vmem>>, %arg8: memref<128x128xf32, #tpu.memory_space<vmem>>, %arg9: memref<10000x128xf32, #tpu.memory_space<vmem_shared>>, %arg10: memref<!tpu.dma_semaphore, #tpu.memory_space<semaphore_mem>>, %arg11: memref<!tpu.dma_semaphore, #tpu.memory_space<semaphore_mem>>) attributes {dimension_semantics = [#tpu.dimension_semantics<core_parallel>, #tpu.dimension_semantics<subcore_parallel>], iteration_bounds = array<i64: 2, 16>, scalar_prefetch = 0 : i64, scratch_operands = 7 : i64, tpu.core_type = #tpu.core_type<sc_vector_subcore>, window_params = [{transform_indices = #map}, {transform_indices = #map1}, {transform_indices = #map1}]} {
    %mul3A = arith.constant 2 : i32
    %mul3A_0 = arith.muli %arg1, %mul3A : i32
    %add3A = arith.addi %mul3A_0, %arg0 : i32
    %mul3A_1 = arith.constant 624 : i32
    %mul3A_2 = arith.muli %arg1, %mul3A_1 : i32
    "tpu.region"() ({
      %run_scoped3A = tpu.sem_alloc : memref<!tpu.dma_semaphore, #tpu.memory_space<semaphore_mem>>
      %dma_start3A = arith.constant 0 : i32
      %dma_start3A_20 = tpu.memref_slice %arg9[%mul3A_2, %dma_start3A] : memref<10000x128xf32, #tpu.memory_space<vmem_shared>> -> memref<624x128xf32, #tpu.memory_space<vmem_shared>>
      %dma_start3A_21 = arith.constant 0 : i32
      %dma_start3A_22 = tpu.memref_slice %arg2[%mul3A_2, %dma_start3A_21] : memref<10000x128xf32, #tpu.memory_space<hbm>> -> memref<624x128xf32, #tpu.memory_space<hbm>>
      tpu.enqueue_dma source(%dma_start3A_22 : memref<624x128xf32, #tpu.memory_space<hbm>>) target(%dma_start3A_20 : memref<624x128xf32, #tpu.memory_space<vmem_shared>>) target_semaphore(%run_scoped3A : memref<!tpu.dma_semaphore, #tpu.memory_space<semaphore_mem>>)
      %dma_wait3A = arith.constant 0 : i32
      %dma_wait3A_23 = tpu.memref_slice %arg9[%mul3A_2, %dma_wait3A] : memref<10000x128xf32, #tpu.memory_space<vmem_shared>> -> memref<624x128xf32, #tpu.memory_space<vmem_shared>>
      %dma_wait3A_24 = arith.constant 0 : i32
      %dma_wait3A_25 = tpu.memref_slice %arg2[%mul3A_2, %dma_wait3A_24] : memref<10000x128xf32, #tpu.memory_space<hbm>> -> memref<624x128xf32, #tpu.memory_space<hbm>>
      tpu.wait_dma2 semaphore(%run_scoped3A : memref<!tpu.dma_semaphore, #tpu.memory_space<semaphore_mem>>) src(%dma_wait3A_25 : memref<624x128xf32, #tpu.memory_space<hbm>>) dst(%dma_wait3A_23 : memref<624x128xf32, #tpu.memory_space<vmem_shared>>)
      tpu.yield
    }) : () -> ()
    %eq3A = arith.constant 15 : i32
    %eq3A_3 = arith.cmpi eq, %arg1, %eq3A : i32
    %convert_element_type3A = arith.extui %eq3A_3 : i1 to i32
    %cond3A = arith.constant 0 : i32
    %cond3A_4 = arith.cmpi ne, %convert_element_type3A, %cond3A : i32
    scf.if %cond3A_4 {
      "tpu.region"() ({
        %run_scoped3A = tpu.sem_alloc : memref<!tpu.dma_semaphore, #tpu.memory_space<semaphore_mem>>
        %dma_start3A = arith.constant 9984 : i32
        %dma_start3A_20 = arith.constant 0 : i32
        %dma_start3A_21 = tpu.memref_slice %arg9[%dma_start3A, %dma_start3A_20] : memref<10000x128xf32, #tpu.memory_space<vmem_shared>> -> memref<16x128xf32, #tpu.memory_space<vmem_shared>>
        %dma_start3A_22 = arith.constant 9984 : i32
        %dma_start3A_23 = arith.constant 0 : i32
        %dma_start3A_24 = tpu.memref_slice %arg2[%dma_start3A_22, %dma_start3A_23] : memref<10000x128xf32, #tpu.memory_space<hbm>> -> memref<16x128xf32, #tpu.memory_space<hbm>>
        tpu.enqueue_dma source(%dma_start3A_24 : memref<16x128xf32, #tpu.memory_space<hbm>>) target(%dma_start3A_21 : memref<16x128xf32, #tpu.memory_space<vmem_shared>>) target_semaphore(%run_scoped3A : memref<!tpu.dma_semaphore, #tpu.memory_space<semaphore_mem>>)
        %dma_wait3A = arith.constant 9984 : i32
        %dma_wait3A_25 = arith.constant 0 : i32
        %dma_wait3A_26 = tpu.memref_slice %arg9[%dma_wait3A, %dma_wait3A_25] : memref<10000x128xf32, #tpu.memory_space<vmem_shared>> -> memref<16x128xf32, #tpu.memory_space<vmem_shared>>
        %dma_wait3A_27 = arith.constant 9984 : i32
        %dma_wait3A_28 = arith.constant 0 : i32
        %dma_wait3A_29 = tpu.memref_slice %arg2[%dma_wait3A_27, %dma_wait3A_28] : memref<10000x128xf32, #tpu.memory_space<hbm>> -> memref<16x128xf32, #tpu.memory_space<hbm>>
        tpu.wait_dma2 semaphore(%run_scoped3A : memref<!tpu.dma_semaphore, #tpu.memory_space<semaphore_mem>>) src(%dma_wait3A_29 : memref<16x128xf32, #tpu.memory_space<hbm>>) dst(%dma_wait3A_26 : memref<16x128xf32, #tpu.memory_space<vmem_shared>>)
        tpu.yield
      }) : () -> ()
    } else {
    }
    %barrier3A = arith.constant 0 : index
    tpu.barrier barrier_id(%barrier3A)
    %mul3A_5 = arith.constant 80 : i32
    %mul3A_6 = arith.muli %add3A, %mul3A_5 : i32
    %sub3A = arith.constant 2500 : i32
    %sub3A_7 = arith.subi %sub3A, %mul3A_6 : i32
    %min3A = arith.constant 80 : i32
    %min3A_8 = arith.minsi %min3A, %sub3A_7 : i32
    %scan3A = arith.constant 0 : i32
    %scan3A_9 = arith.constant 0 : i32
    %scan3A_10 = arith.constant 2 : i32
    %scan3A_11 = arith.addi %scan3A_9, %scan3A_10 : i32
    %scan3A_12 = arith.constant 1 : i32
    scf.for %scan3A_20 = %scan3A_9 to %scan3A_11 step %scan3A_12  : i32 {
      %mul3A_21 = arith.constant 40 : i32
      %mul3A_22 = arith.muli %scan3A_20, %mul3A_21 : i32
      %sub3A_23 = arith.subi %min3A_8, %mul3A_22 : i32
      %min3A_24 = arith.constant 40 : i32
      %min3A_25 = arith.minsi %min3A_24, %sub3A_23 : i32
      %gt3A = arith.constant 0 : i32
      %gt3A_26 = arith.cmpi sgt, %min3A_25, %gt3A : i32
      %convert_element_type3A_27 = arith.extui %gt3A_26 : i1 to i32
      %cond3A_28 = arith.constant 0 : i32
      %cond3A_29 = arith.cmpi ne, %convert_element_type3A_27, %cond3A_28 : i32
      scf.if %cond3A_29 {
        %mul3A_30 = arith.constant 40 : i32
        %mul3A_31 = arith.muli %scan3A_20, %mul3A_30 : i32
        %add3A_32 = arith.addi %mul3A_6, %mul3A_31 : i32
        %run_scoped3A = arith.constant 0 : i32
        "tpu.region"() ({
          %run_scoped3A_69 = tpu.sem_alloc : memref<!tpu.dma_semaphore, #tpu.memory_space<semaphore_mem>>
          %dma_start3A_70 = arith.constant 0 : i32
          %dma_start3A_71 = tpu.memref_slice %arg3[%run_scoped3A, %add3A_32, %dma_start3A_70] : memref<2x2560x128xi32, #tpu.memory_space<hbm>> -> memref<1x40x128xi32, #tpu.memory_space<hbm>>
          %dma_start3A_72 = tpu.memref_squeeze %dma_start3A_71 : memref<1x40x128xi32, #tpu.memory_space<hbm>> -> memref<40x128xi32, #tpu.memory_space<hbm>>
          %dma_start3A_73 = arith.constant 0 : i32
          %dma_start3A_74 = tpu.memref_slice %arg3[%run_scoped3A, %add3A_32, %dma_start3A_73] : memref<2x2560x128xi32, #tpu.memory_space<hbm>> -> memref<1x40x128xi32, #tpu.memory_space<hbm>>
          %dma_start3A_75 = tpu.memref_squeeze %dma_start3A_74 : memref<1x40x128xi32, #tpu.memory_space<hbm>> -> memref<40x128xi32, #tpu.memory_space<hbm>>
          tpu.enqueue_dma source(%dma_start3A_75 : memref<40x128xi32, #tpu.memory_space<hbm>>) target(%arg5 : memref<40x128xi32, #tpu.memory_space<vmem>>) target_semaphore(%run_scoped3A_69 : memref<!tpu.dma_semaphore, #tpu.memory_space<semaphore_mem>>)
          %dma_wait3A = arith.constant 0 : i32
          %dma_wait3A_76 = tpu.memref_slice %arg3[%run_scoped3A, %add3A_32, %dma_wait3A] : memref<2x2560x128xi32, #tpu.memory_space<hbm>> -> memref<1x40x128xi32, #tpu.memory_space<hbm>>
          %dma_wait3A_77 = tpu.memref_squeeze %dma_wait3A_76 : memref<1x40x128xi32, #tpu.memory_space<hbm>> -> memref<40x128xi32, #tpu.memory_space<hbm>>
          %dma_wait3A_78 = arith.constant 0 : i32
          %dma_wait3A_79 = tpu.memref_slice %arg3[%run_scoped3A, %add3A_32, %dma_wait3A_78] : memref<2x2560x128xi32, #tpu.memory_space<hbm>> -> memref<1x40x128xi32, #tpu.memory_space<hbm>>
          %dma_wait3A_80 = tpu.memref_squeeze %dma_wait3A_79 : memref<1x40x128xi32, #tpu.memory_space<hbm>> -> memref<40x128xi32, #tpu.memory_space<hbm>>
          tpu.wait_dma2 semaphore(%run_scoped3A_69 : memref<!tpu.dma_semaphore, #tpu.memory_space<semaphore_mem>>) src(%dma_wait3A_80 : memref<40x128xi32, #tpu.memory_space<hbm>>) dst(%arg5 : memref<40x128xi32, #tpu.memory_space<vmem>>)
          tpu.yield
        }) : () -> ()
        %mul3A_33 = arith.constant 40 : i32
        %mul3A_34 = arith.muli %scan3A_20, %mul3A_33 : i32
        %add3A_35 = arith.addi %mul3A_6, %mul3A_34 : i32
        %run_scoped3A_36 = arith.constant 1 : i32
        "tpu.region"() ({
          %run_scoped3A_69 = tpu.sem_alloc : memref<!tpu.dma_semaphore, #tpu.memory_space<semaphore_mem>>
          %dma_start3A_70 = arith.constant 0 : i32
          %dma_start3A_71 = tpu.memref_slice %arg3[%run_scoped3A_36, %add3A_35, %dma_start3A_70] : memref<2x2560x128xi32, #tpu.memory_space<hbm>> -> memref<1x40x128xi32, #tpu.memory_space<hbm>>
          %dma_start3A_72 = tpu.memref_squeeze %dma_start3A_71 : memref<1x40x128xi32, #tpu.memory_space<hbm>> -> memref<40x128xi32, #tpu.memory_space<hbm>>
          %dma_start3A_73 = arith.constant 0 : i32
          %dma_start3A_74 = tpu.memref_slice %arg3[%run_scoped3A_36, %add3A_35, %dma_start3A_73] : memref<2x2560x128xi32, #tpu.memory_space<hbm>> -> memref<1x40x128xi32, #tpu.memory_space<hbm>>
          %dma_start3A_75 = tpu.memref_squeeze %dma_start3A_74 : memref<1x40x128xi32, #tpu.memory_space<hbm>> -> memref<40x128xi32, #tpu.memory_space<hbm>>
          tpu.enqueue_dma source(%dma_start3A_75 : memref<40x128xi32, #tpu.memory_space<hbm>>) target(%arg6 : memref<40x128xi32, #tpu.memory_space<vmem>>) target_semaphore(%run_scoped3A_69 : memref<!tpu.dma_semaphore, #tpu.memory_space<semaphore_mem>>)
          %dma_wait3A = arith.constant 0 : i32
          %dma_wait3A_76 = tpu.memref_slice %arg3[%run_scoped3A_36, %add3A_35, %dma_wait3A] : memref<2x2560x128xi32, #tpu.memory_space<hbm>> -> memref<1x40x128xi32, #tpu.memory_space<hbm>>
          %dma_wait3A_77 = tpu.memref_squeeze %dma_wait3A_76 : memref<1x40x128xi32, #tpu.memory_space<hbm>> -> memref<40x128xi32, #tpu.memory_space<hbm>>
          %dma_wait3A_78 = arith.constant 0 : i32
          %dma_wait3A_79 = tpu.memref_slice %arg3[%run_scoped3A_36, %add3A_35, %dma_wait3A_78] : memref<2x2560x128xi32, #tpu.memory_space<hbm>> -> memref<1x40x128xi32, #tpu.memory_space<hbm>>
          %dma_wait3A_80 = tpu.memref_squeeze %dma_wait3A_79 : memref<1x40x128xi32, #tpu.memory_space<hbm>> -> memref<40x128xi32, #tpu.memory_space<hbm>>
          tpu.wait_dma2 semaphore(%run_scoped3A_69 : memref<!tpu.dma_semaphore, #tpu.memory_space<semaphore_mem>>) src(%dma_wait3A_80 : memref<40x128xi32, #tpu.memory_space<hbm>>) dst(%arg6 : memref<40x128xi32, #tpu.memory_space<vmem>>)
          tpu.yield
        }) : () -> ()
        %dma_start3A = arith.constant 0 : i32
        %dma_start3A_37 = arith.constant 0 : i32
        %dma_start3A_38 = tpu.memref_slice %arg5[%dma_start3A, %dma_start3A_37] : memref<40x128xi32, #tpu.memory_space<vmem>> -> memref<1x128xi32, #tpu.memory_space<vmem>>
        %dma_start3A_39 = tpu.memref_squeeze %dma_start3A_38 : memref<1x128xi32, #tpu.memory_space<vmem>> -> memref<128xi32, #tpu.memory_space<vmem>>
        %dma_start3A_40 = arith.constant 0 : i32
        %dma_start3A_41 = arith.constant 0 : i32
        %dma_start3A_42 = tpu.memref_slice %arg2[%dma_start3A_40, %dma_start3A_41] : memref<10000x128xf32, #tpu.memory_space<hbm>> -> memref<10000x128xf32, #tpu.memory_space<hbm>>
        tpu.enqueue_indirect_dma source(%dma_start3A_42 : memref<10000x128xf32, #tpu.memory_space<hbm>>) target(%arg7 : memref<128x128xf32, #tpu.memory_space<vmem>>) offsets(%dma_start3A_39 : memref<128xi32, #tpu.memory_space<vmem>>) semaphore(%arg10 : memref<!tpu.dma_semaphore, #tpu.memory_space<semaphore_mem>>)
        %jit3A = arith.constant 2 : i32
        %div3A = arith.divsi %min3A_25, %jit3A : i32
        %sign3A = arith.constant 0 : i32
        %sign3A_43 = arith.cmpi sgt, %min3A_25, %sign3A : i32
        %sign3A_44 = arith.extui %sign3A_43 : i1 to i32
        %sign3A_45 = arith.constant 0 : i32
        %sign3A_46 = arith.cmpi slt, %min3A_25, %sign3A_45 : i32
        %sign3A_47 = arith.extui %sign3A_46 : i1 to i32
        %sign3A_48 = arith.subi %sign3A_44, %sign3A_47 : i32
        %sign3A_49 = arith.constant 0 : i32
        %sign3A_50 = arith.cmpi sgt, %jit3A, %sign3A_49 : i32
        %sign3A_51 = arith.extui %sign3A_50 : i1 to i32
        %sign3A_52 = arith.constant 0 : i32
        %sign3A_53 = arith.cmpi slt, %jit3A, %sign3A_52 : i32
        %sign3A_54 = arith.extui %sign3A_53 : i1 to i32
        %sign3A_55 = arith.subi %sign3A_51, %sign3A_54 : i32
        %ne3A = arith.cmpi ne, %sign3A_48, %sign3A_55 : i32
        %rem3A = arith.remsi %min3A_25, %jit3A : i32
        %ne3A_56 = arith.constant 0 : i32
        %ne3A_57 = arith.cmpi ne, %rem3A, %ne3A_56 : i32
        %and3A = arith.andi %ne3A, %ne3A_57 : i1
        %sub3A_58 = arith.constant 1 : i32
        %sub3A_59 = arith.subi %div3A, %sub3A_58 : i32
        %select_n3A = arith.select %and3A, %sub3A_59, %div3A : i32
        %while3A = arith.constant 0 : i32
        %while3A_60 = arith.constant 0 : i32
        %while3A_61 = arith.subi %select_n3A, %while3A_60 : i32
        %while3A_62 = arith.addi %while3A_60, %while3A_61 : i32
        %while3A_63 = arith.constant 1 : i32
        %while3A_64 = arith.divsi %while3A_61, %while3A_63 : i32
        %while3A_65 = arith.muli %while3A_64, %while3A_63 : i32
        %while3A_66 = arith.addi %while3A_60, %while3A_65 : i32
        %while3A_67 = arith.constant 1 : i32
        scf.for %while3A_69 = %while3A_60 to %while3A_66 step %while3A_67  : i32 {
          %mul3A_70 = arith.constant 2 : i32
          %mul3A_71 = arith.muli %mul3A_70, %while3A_69 : i32
          %add3A_72 = arith.constant 1 : i32
          %add3A_73 = arith.addi %mul3A_71, %add3A_72 : i32
          %dma_start3A_74 = arith.constant 0 : i32
          %dma_start3A_75 = tpu.memref_slice %arg5[%add3A_73, %dma_start3A_74] : memref<40x128xi32, #tpu.memory_space<vmem>> -> memref<1x128xi32, #tpu.memory_space<vmem>>
          %dma_start3A_76 = tpu.memref_squeeze %dma_start3A_75 : memref<1x128xi32, #tpu.memory_space<vmem>> -> memref<128xi32, #tpu.memory_space<vmem>>
          %dma_start3A_77 = arith.constant 0 : i32
          %dma_start3A_78 = arith.constant 0 : i32
          %dma_start3A_79 = tpu.memref_slice %arg2[%dma_start3A_77, %dma_start3A_78] : memref<10000x128xf32, #tpu.memory_space<hbm>> -> memref<10000x128xf32, #tpu.memory_space<hbm>>
          tpu.enqueue_indirect_dma source(%dma_start3A_79 : memref<10000x128xf32, #tpu.memory_space<hbm>>) target(%arg8 : memref<128x128xf32, #tpu.memory_space<vmem>>) offsets(%dma_start3A_76 : memref<128xi32, #tpu.memory_space<vmem>>) semaphore(%arg11 : memref<!tpu.dma_semaphore, #tpu.memory_space<semaphore_mem>>)
          %dma_wait3A = arith.constant 0 : i32
          %dma_wait3A_80 = tpu.memref_slice %arg5[%mul3A_71, %dma_wait3A] : memref<40x128xi32, #tpu.memory_space<vmem>> -> memref<1x128xi32, #tpu.memory_space<vmem>>
          %dma_wait3A_81 = tpu.memref_squeeze %dma_wait3A_80 : memref<1x128xi32, #tpu.memory_space<vmem>> -> memref<128xi32, #tpu.memory_space<vmem>>
          %dma_wait3A_82 = arith.constant 0 : i32
          %dma_wait3A_83 = arith.constant 0 : i32
          %dma_wait3A_84 = tpu.memref_slice %arg2[%dma_wait3A_82, %dma_wait3A_83] : memref<10000x128xf32, #tpu.memory_space<hbm>> -> memref<10000x128xf32, #tpu.memory_space<hbm>>
          tpu.wait_indirect_dma semaphore(%arg10 : memref<!tpu.dma_semaphore, #tpu.memory_space<semaphore_mem>>) src(%dma_wait3A_84 : memref<10000x128xf32, #tpu.memory_space<hbm>>) dst(%arg7 : memref<128x128xf32, #tpu.memory_space<vmem>>)
          "tpu.region"() ({
            %run_scoped3A_96 = tpu.sem_alloc : memref<!tpu.dma_semaphore, #tpu.memory_space<semaphore_mem>>
            %dma_start3A_97 = arith.constant 0 : i32
            %dma_start3A_98 = tpu.memref_slice %arg6[%mul3A_71, %dma_start3A_97] : memref<40x128xi32, #tpu.memory_space<vmem>> -> memref<1x128xi32, #tpu.memory_space<vmem>>
            %dma_start3A_99 = tpu.memref_squeeze %dma_start3A_98 : memref<1x128xi32, #tpu.memory_space<vmem>> -> memref<128xi32, #tpu.memory_space<vmem>>
            %dma_start3A_100 = arith.constant 0 : i32
            %dma_start3A_101 = arith.constant 0 : i32
            %dma_start3A_102 = tpu.memref_slice %arg9[%dma_start3A_100, %dma_start3A_101] : memref<10000x128xf32, #tpu.memory_space<vmem_shared>> -> memref<10000x128xf32, #tpu.memory_space<vmem_shared>>
            tpu.enqueue_indirect_dma source(%arg7 : memref<128x128xf32, #tpu.memory_space<vmem>>) target(%dma_start3A_102 : memref<10000x128xf32, #tpu.memory_space<vmem_shared>>) offsets(%dma_start3A_99 : memref<128xi32, #tpu.memory_space<vmem>>) semaphore(%run_scoped3A_96 : memref<!tpu.dma_semaphore, #tpu.memory_space<semaphore_mem>>) {add = true}
            %dma_wait3A_103 = arith.constant 0 : i32
            %dma_wait3A_104 = tpu.memref_slice %arg6[%mul3A_71, %dma_wait3A_103] : memref<40x128xi32, #tpu.memory_space<vmem>> -> memref<1x128xi32, #tpu.memory_space<vmem>>
            %dma_wait3A_105 = tpu.memref_squeeze %dma_wait3A_104 : memref<1x128xi32, #tpu.memory_space<vmem>> -> memref<128xi32, #tpu.memory_space<vmem>>
            %dma_wait3A_106 = arith.constant 0 : i32
            %dma_wait3A_107 = arith.constant 0 : i32
            %dma_wait3A_108 = tpu.memref_slice %arg9[%dma_wait3A_106, %dma_wait3A_107] : memref<10000x128xf32, #tpu.memory_space<vmem_shared>> -> memref<10000x128xf32, #tpu.memory_space<vmem_shared>>
            tpu.wait_indirect_dma semaphore(%run_scoped3A_96 : memref<!tpu.dma_semaphore, #tpu.memory_space<semaphore_mem>>) src(%arg7 : memref<128x128xf32, #tpu.memory_space<vmem>>) dst(%dma_wait3A_108 : memref<10000x128xf32, #tpu.memory_space<vmem_shared>>)
            tpu.yield
          }) : () -> ()
          %add3A_85 = arith.constant 1 : i32
          %add3A_86 = arith.addi %add3A_73, %add3A_85 : i32
          %lt3A = arith.cmpi slt, %add3A_86, %min3A_25 : i32
          %convert_element_type3A_87 = arith.extui %lt3A : i1 to i32
          %cond3A_88 = arith.constant 0 : i32
          %cond3A_89 = arith.cmpi ne, %convert_element_type3A_87, %cond3A_88 : i32
          scf.if %cond3A_89 {
            %add3A_96 = arith.constant 1 : i32
            %add3A_97 = arith.addi %add3A_73, %add3A_96 : i32
            %dma_start3A_98 = arith.constant 0 : i32
            %dma_start3A_99 = tpu.memref_slice %arg5[%add3A_97, %dma_start3A_98] : memref<40x128xi32, #tpu.memory_space<vmem>> -> memref<1x128xi32, #tpu.memory_space<vmem>>
            %dma_start3A_100 = tpu.memref_squeeze %dma_start3A_99 : memref<1x128xi32, #tpu.memory_space<vmem>> -> memref<128xi32, #tpu.memory_space<vmem>>
            %dma_start3A_101 = arith.constant 0 : i32
            %dma_start3A_102 = arith.constant 0 : i32
            %dma_start3A_103 = tpu.memref_slice %arg2[%dma_start3A_101, %dma_start3A_102] : memref<10000x128xf32, #tpu.memory_space<hbm>> -> memref<10000x128xf32, #tpu.memory_space<hbm>>
            tpu.enqueue_indirect_dma source(%dma_start3A_103 : memref<10000x128xf32, #tpu.memory_space<hbm>>) target(%arg7 : memref<128x128xf32, #tpu.memory_space<vmem>>) offsets(%dma_start3A_100 : memref<128xi32, #tpu.memory_space<vmem>>) semaphore(%arg10 : memref<!tpu.dma_semaphore, #tpu.memory_space<semaphore_mem>>)
          } else {
          }
          %dma_wait3A_90 = arith.constant 0 : i32
          %dma_wait3A_91 = tpu.memref_slice %arg5[%add3A_73, %dma_wait3A_90] : memref<40x128xi32, #tpu.memory_space<vmem>> -> memref<1x128xi32, #tpu.memory_space<vmem>>
          %dma_wait3A_92 = tpu.memref_squeeze %dma_wait3A_91 : memref<1x128xi32, #tpu.memory_space<vmem>> -> memref<128xi32, #tpu.memory_space<vmem>>
          %dma_wait3A_93 = arith.constant 0 : i32
          %dma_wait3A_94 = arith.constant 0 : i32
          %dma_wait3A_95 = tpu.memref_slice %arg2[%dma_wait3A_93, %dma_wait3A_94] : memref<10000x128xf32, #tpu.memory_space<hbm>> -> memref<10000x128xf32, #tpu.memory_space<hbm>>
          tpu.wait_indirect_dma semaphore(%arg11 : memref<!tpu.dma_semaphore, #tpu.memory_space<semaphore_mem>>) src(%dma_wait3A_95 : memref<10000x128xf32, #tpu.memory_space<hbm>>) dst(%arg8 : memref<128x128xf32, #tpu.memory_space<vmem>>)
          "tpu.region"() ({
            %run_scoped3A_96 = tpu.sem_alloc : memref<!tpu.dma_semaphore, #tpu.memory_space<semaphore_mem>>
            %dma_start3A_97 = arith.constant 0 : i32
            %dma_start3A_98 = tpu.memref_slice %arg6[%add3A_73, %dma_start3A_97] : memref<40x128xi32, #tpu.memory_space<vmem>> -> memref<1x128xi32, #tpu.memory_space<vmem>>
            %dma_start3A_99 = tpu.memref_squeeze %dma_start3A_98 : memref<1x128xi32, #tpu.memory_space<vmem>> -> memref<128xi32, #tpu.memory_space<vmem>>
            %dma_start3A_100 = arith.constant 0 : i32
            %dma_start3A_101 = arith.constant 0 : i32
            %dma_start3A_102 = tpu.memref_slice %arg9[%dma_start3A_100, %dma_start3A_101] : memref<10000x128xf32, #tpu.memory_space<vmem_shared>> -> memref<10000x128xf32, #tpu.memory_space<vmem_shared>>
            tpu.enqueue_indirect_dma source(%arg8 : memref<128x128xf32, #tpu.memory_space<vmem>>) target(%dma_start3A_102 : memref<10000x128xf32, #tpu.memory_space<vmem_shared>>) offsets(%dma_start3A_99 : memref<128xi32, #tpu.memory_space<vmem>>) semaphore(%run_scoped3A_96 : memref<!tpu.dma_semaphore, #tpu.memory_space<semaphore_mem>>) {add = true}
            %dma_wait3A_103 = arith.constant 0 : i32
            %dma_wait3A_104 = tpu.memref_slice %arg6[%add3A_73, %dma_wait3A_103] : memref<40x128xi32, #tpu.memory_space<vmem>> -> memref<1x128xi32, #tpu.memory_space<vmem>>
            %dma_wait3A_105 = tpu.memref_squeeze %dma_wait3A_104 : memref<1x128xi32, #tpu.memory_space<vmem>> -> memref<128xi32, #tpu.memory_space<vmem>>
            %dma_wait3A_106 = arith.constant 0 : i32
            %dma_wait3A_107 = arith.constant 0 : i32
            %dma_wait3A_108 = tpu.memref_slice %arg9[%dma_wait3A_106, %dma_wait3A_107] : memref<10000x128xf32, #tpu.memory_space<vmem_shared>> -> memref<10000x128xf32, #tpu.memory_space<vmem_shared>>
            tpu.wait_indirect_dma semaphore(%run_scoped3A_96 : memref<!tpu.dma_semaphore, #tpu.memory_space<semaphore_mem>>) src(%arg8 : memref<128x128xf32, #tpu.memory_space<vmem>>) dst(%dma_wait3A_108 : memref<10000x128xf32, #tpu.memory_space<vmem_shared>>)
            tpu.yield
          }) : () -> ()
        }
        %while3A_68 = arith.constant 1 : i32
        scf.for %while3A_69 = %while3A_66 to %while3A_62 step %while3A_68  : i32 {
          %mul3A_70 = arith.constant 2 : i32
          %mul3A_71 = arith.muli %mul3A_70, %while3A_69 : i32
          %add3A_72 = arith.constant 1 : i32
          %add3A_73 = arith.addi %mul3A_71, %add3A_72 : i32
          %dma_start3A_74 = arith.constant 0 : i32
          %dma_start3A_75 = tpu.memref_slice %arg5[%add3A_73, %dma_start3A_74] : memref<40x128xi32, #tpu.memory_space<vmem>> -> memref<1x128xi32, #tpu.memory_space<vmem>>
          %dma_start3A_76 = tpu.memref_squeeze %dma_start3A_75 : memref<1x128xi32, #tpu.memory_space<vmem>> -> memref<128xi32, #tpu.memory_space<vmem>>
          %dma_start3A_77 = arith.constant 0 : i32
          %dma_start3A_78 = arith.constant 0 : i32
          %dma_start3A_79 = tpu.memref_slice %arg2[%dma_start3A_77, %dma_start3A_78] : memref<10000x128xf32, #tpu.memory_space<hbm>> -> memref<10000x128xf32, #tpu.memory_space<hbm>>
          tpu.enqueue_indirect_dma source(%dma_start3A_79 : memref<10000x128xf32, #tpu.memory_space<hbm>>) target(%arg8 : memref<128x128xf32, #tpu.memory_space<vmem>>) offsets(%dma_start3A_76 : memref<128xi32, #tpu.memory_space<vmem>>) semaphore(%arg11 : memref<!tpu.dma_semaphore, #tpu.memory_space<semaphore_mem>>)
          %dma_wait3A = arith.constant 0 : i32
          %dma_wait3A_80 = tpu.memref_slice %arg5[%mul3A_71, %dma_wait3A] : memref<40x128xi32, #tpu.memory_space<vmem>> -> memref<1x128xi32, #tpu.memory_space<vmem>>
          %dma_wait3A_81 = tpu.memref_squeeze %dma_wait3A_80 : memref<1x128xi32, #tpu.memory_space<vmem>> -> memref<128xi32, #tpu.memory_space<vmem>>
          %dma_wait3A_82 = arith.constant 0 : i32
          %dma_wait3A_83 = arith.constant 0 : i32
          %dma_wait3A_84 = tpu.memref_slice %arg2[%dma_wait3A_82, %dma_wait3A_83] : memref<10000x128xf32, #tpu.memory_space<hbm>> -> memref<10000x128xf32, #tpu.memory_space<hbm>>
          tpu.wait_indirect_dma semaphore(%arg10 : memref<!tpu.dma_semaphore, #tpu.memory_space<semaphore_mem>>) src(%dma_wait3A_84 : memref<10000x128xf32, #tpu.memory_space<hbm>>) dst(%arg7 : memref<128x128xf32, #tpu.memory_space<vmem>>)
          "tpu.region"() ({
            %run_scoped3A_96 = tpu.sem_alloc : memref<!tpu.dma_semaphore, #tpu.memory_space<semaphore_mem>>
            %dma_start3A_97 = arith.constant 0 : i32
            %dma_start3A_98 = tpu.memref_slice %arg6[%mul3A_71, %dma_start3A_97] : memref<40x128xi32, #tpu.memory_space<vmem>> -> memref<1x128xi32, #tpu.memory_space<vmem>>
            %dma_start3A_99 = tpu.memref_squeeze %dma_start3A_98 : memref<1x128xi32, #tpu.memory_space<vmem>> -> memref<128xi32, #tpu.memory_space<vmem>>
            %dma_start3A_100 = arith.constant 0 : i32
            %dma_start3A_101 = arith.constant 0 : i32
            %dma_start3A_102 = tpu.memref_slice %arg9[%dma_start3A_100, %dma_start3A_101] : memref<10000x128xf32, #tpu.memory_space<vmem_shared>> -> memref<10000x128xf32, #tpu.memory_space<vmem_shared>>
            tpu.enqueue_indirect_dma source(%arg7 : memref<128x128xf32, #tpu.memory_space<vmem>>) target(%dma_start3A_102 : memref<10000x128xf32, #tpu.memory_space<vmem_shared>>) offsets(%dma_start3A_99 : memref<128xi32, #tpu.memory_space<vmem>>) semaphore(%run_scoped3A_96 : memref<!tpu.dma_semaphore, #tpu.memory_space<semaphore_mem>>) {add = true}
            %dma_wait3A_103 = arith.constant 0 : i32
            %dma_wait3A_104 = tpu.memref_slice %arg6[%mul3A_71, %dma_wait3A_103] : memref<40x128xi32, #tpu.memory_space<vmem>> -> memref<1x128xi32, #tpu.memory_space<vmem>>
            %dma_wait3A_105 = tpu.memref_squeeze %dma_wait3A_104 : memref<1x128xi32, #tpu.memory_space<vmem>> -> memref<128xi32, #tpu.memory_space<vmem>>
            %dma_wait3A_106 = arith.constant 0 : i32
            %dma_wait3A_107 = arith.constant 0 : i32
            %dma_wait3A_108 = tpu.memref_slice %arg9[%dma_wait3A_106, %dma_wait3A_107] : memref<10000x128xf32, #tpu.memory_space<vmem_shared>> -> memref<10000x128xf32, #tpu.memory_space<vmem_shared>>
            tpu.wait_indirect_dma semaphore(%run_scoped3A_96 : memref<!tpu.dma_semaphore, #tpu.memory_space<semaphore_mem>>) src(%arg7 : memref<128x128xf32, #tpu.memory_space<vmem>>) dst(%dma_wait3A_108 : memref<10000x128xf32, #tpu.memory_space<vmem_shared>>)
            tpu.yield
          }) : () -> ()
          %add3A_85 = arith.constant 1 : i32
          %add3A_86 = arith.addi %add3A_73, %add3A_85 : i32
          %lt3A = arith.cmpi slt, %add3A_86, %min3A_25 : i32
          %convert_element_type3A_87 = arith.extui %lt3A : i1 to i32
          %cond3A_88 = arith.constant 0 : i32
          %cond3A_89 = arith.cmpi ne, %convert_element_type3A_87, %cond3A_88 : i32
          scf.if %cond3A_89 {
            %add3A_96 = arith.constant 1 : i32
            %add3A_97 = arith.addi %add3A_73, %add3A_96 : i32
            %dma_start3A_98 = arith.constant 0 : i32
            %dma_start3A_99 = tpu.memref_slice %arg5[%add3A_97, %dma_start3A_98] : memref<40x128xi32, #tpu.memory_space<vmem>> -> memref<1x128xi32, #tpu.memory_space<vmem>>
            %dma_start3A_100 = tpu.memref_squeeze %dma_start3A_99 : memref<1x128xi32, #tpu.memory_space<vmem>> -> memref<128xi32, #tpu.memory_space<vmem>>
            %dma_start3A_101 = arith.constant 0 : i32
            %dma_start3A_102 = arith.constant 0 : i32
            %dma_start3A_103 = tpu.memref_slice %arg2[%dma_start3A_101, %dma_start3A_102] : memref<10000x128xf32, #tpu.memory_space<hbm>> -> memref<10000x128xf32, #tpu.memory_space<hbm>>
            tpu.enqueue_indirect_dma source(%dma_start3A_103 : memref<10000x128xf32, #tpu.memory_space<hbm>>) target(%arg7 : memref<128x128xf32, #tpu.memory_space<vmem>>) offsets(%dma_start3A_100 : memref<128xi32, #tpu.memory_space<vmem>>) semaphore(%arg10 : memref<!tpu.dma_semaphore, #tpu.memory_space<semaphore_mem>>)
          } else {
          }
          %dma_wait3A_90 = arith.constant 0 : i32
          %dma_wait3A_91 = tpu.memref_slice %arg5[%add3A_73, %dma_wait3A_90] : memref<40x128xi32, #tpu.memory_space<vmem>> -> memref<1x128xi32, #tpu.memory_space<vmem>>
          %dma_wait3A_92 = tpu.memref_squeeze %dma_wait3A_91 : memref<1x128xi32, #tpu.memory_space<vmem>> -> memref<128xi32, #tpu.memory_space<vmem>>
          %dma_wait3A_93 = arith.constant 0 : i32
          %dma_wait3A_94 = arith.constant 0 : i32
          %dma_wait3A_95 = tpu.memref_slice %arg2[%dma_wait3A_93, %dma_wait3A_94] : memref<10000x128xf32, #tpu.memory_space<hbm>> -> memref<10000x128xf32, #tpu.memory_space<hbm>>
          tpu.wait_indirect_dma semaphore(%arg11 : memref<!tpu.dma_semaphore, #tpu.memory_space<semaphore_mem>>) src(%dma_wait3A_95 : memref<10000x128xf32, #tpu.memory_space<hbm>>) dst(%arg8 : memref<128x128xf32, #tpu.memory_space<vmem>>)
          "tpu.region"() ({
            %run_scoped3A_96 = tpu.sem_alloc : memref<!tpu.dma_semaphore, #tpu.memory_space<semaphore_mem>>
            %dma_start3A_97 = arith.constant 0 : i32
            %dma_start3A_98 = tpu.memref_slice %arg6[%add3A_73, %dma_start3A_97] : memref<40x128xi32, #tpu.memory_space<vmem>> -> memref<1x128xi32, #tpu.memory_space<vmem>>
            %dma_start3A_99 = tpu.memref_squeeze %dma_start3A_98 : memref<1x128xi32, #tpu.memory_space<vmem>> -> memref<128xi32, #tpu.memory_space<vmem>>
            %dma_start3A_100 = arith.constant 0 : i32
            %dma_start3A_101 = arith.constant 0 : i32
            %dma_start3A_102 = tpu.memref_slice %arg9[%dma_start3A_100, %dma_start3A_101] : memref<10000x128xf32, #tpu.memory_space<vmem_shared>> -> memref<10000x128xf32, #tpu.memory_space<vmem_shared>>
            tpu.enqueue_indirect_dma source(%arg8 : memref<128x128xf32, #tpu.memory_space<vmem>>) target(%dma_start3A_102 : memref<10000x128xf32, #tpu.memory_space<vmem_shared>>) offsets(%dma_start3A_99 : memref<128xi32, #tpu.memory_space<vmem>>) semaphore(%run_scoped3A_96 : memref<!tpu.dma_semaphore, #tpu.memory_space<semaphore_mem>>) {add = true}
            %dma_wait3A_103 = arith.constant 0 : i32
            %dma_wait3A_104 = tpu.memref_slice %arg6[%add3A_73, %dma_wait3A_103] : memref<40x128xi32, #tpu.memory_space<vmem>> -> memref<1x128xi32, #tpu.memory_space<vmem>>
            %dma_wait3A_105 = tpu.memref_squeeze %dma_wait3A_104 : memref<1x128xi32, #tpu.memory_space<vmem>> -> memref<128xi32, #tpu.memory_space<vmem>>
            %dma_wait3A_106 = arith.constant 0 : i32
            %dma_wait3A_107 = arith.constant 0 : i32
            %dma_wait3A_108 = tpu.memref_slice %arg9[%dma_wait3A_106, %dma_wait3A_107] : memref<10000x128xf32, #tpu.memory_space<vmem_shared>> -> memref<10000x128xf32, #tpu.memory_space<vmem_shared>>
            tpu.wait_indirect_dma semaphore(%run_scoped3A_96 : memref<!tpu.dma_semaphore, #tpu.memory_space<semaphore_mem>>) src(%arg8 : memref<128x128xf32, #tpu.memory_space<vmem>>) dst(%dma_wait3A_108 : memref<10000x128xf32, #tpu.memory_space<vmem_shared>>)
            tpu.yield
          }) : () -> ()
        }
      } else {
      }
    }
    %scan3A_13 = arith.constant 2 : i32
    %barrier3A_14 = arith.constant 0 : index
    tpu.barrier barrier_id(%barrier3A_14)
    "tpu.region"() ({
      %run_scoped3A = tpu.sem_alloc : memref<!tpu.dma_semaphore, #tpu.memory_space<semaphore_mem>>
      %dma_start3A = arith.constant 0 : i32
      %dma_start3A_20 = tpu.memref_slice %arg4[%arg0, %mul3A_2, %dma_start3A] : memref<2x10000x128xf32, #tpu.memory_space<hbm>> -> memref<1x624x128xf32, #tpu.memory_space<hbm>>
      %dma_start3A_21 = tpu.memref_squeeze %dma_start3A_20 : memref<1x624x128xf32, #tpu.memory_space<hbm>> -> memref<624x128xf32, #tpu.memory_space<hbm>>
      %dma_start3A_22 = arith.constant 0 : i32
      %dma_start3A_23 = tpu.memref_slice %arg9[%mul3A_2, %dma_start3A_22] : memref<10000x128xf32, #tpu.memory_space<vmem_shared>> -> memref<624x128xf32, #tpu.memory_space<vmem_shared>>
      tpu.enqueue_dma source(%dma_start3A_23 : memref<624x128xf32, #tpu.memory_space<vmem_shared>>) target(%dma_start3A_21 : memref<624x128xf32, #tpu.memory_space<hbm>>) target_semaphore(%run_scoped3A : memref<!tpu.dma_semaphore, #tpu.memory_space<semaphore_mem>>)
      %dma_wait3A = arith.constant 0 : i32
      %dma_wait3A_24 = tpu.memref_slice %arg4[%arg0, %mul3A_2, %dma_wait3A] : memref<2x10000x128xf32, #tpu.memory_space<hbm>> -> memref<1x624x128xf32, #tpu.memory_space<hbm>>
      %dma_wait3A_25 = tpu.memref_squeeze %dma_wait3A_24 : memref<1x624x128xf32, #tpu.memory_space<hbm>> -> memref<624x128xf32, #tpu.memory_space<hbm>>
      %dma_wait3A_26 = arith.constant 0 : i32
      %dma_wait3A_27 = tpu.memref_slice %arg9[%mul3A_2, %dma_wait3A_26] : memref<10000x128xf32, #tpu.memory_space<vmem_shared>> -> memref<624x128xf32, #tpu.memory_space<vmem_shared>>
      tpu.wait_dma2 semaphore(%run_scoped3A : memref<!tpu.dma_semaphore, #tpu.memory_space<semaphore_mem>>) src(%dma_wait3A_27 : memref<624x128xf32, #tpu.memory_space<vmem_shared>>) dst(%dma_wait3A_25 : memref<624x128xf32, #tpu.memory_space<hbm>>)
      tpu.yield
    }) : () -> ()
    %eq3A_15 = arith.constant 15 : i32
    %eq3A_16 = arith.cmpi eq, %arg1, %eq3A_15 : i32
    %convert_element_type3A_17 = arith.extui %eq3A_16 : i1 to i32
    %cond3A_18 = arith.constant 0 : i32
    %cond3A_19 = arith.cmpi ne, %convert_element_type3A_17, %cond3A_18 : i32
    scf.if %cond3A_19 {
      "tpu.region"() ({
        %run_scoped3A = tpu.sem_alloc : memref<!tpu.dma_semaphore, #tpu.memory_space<semaphore_mem>>
        %dma_start3A = arith.constant 9984 : i32
        %dma_start3A_20 = arith.constant 0 : i32
        %dma_start3A_21 = tpu.memref_slice %arg4[%arg0, %dma_start3A, %dma_start3A_20] : memref<2x10000x128xf32, #tpu.memory_space<hbm>> -> memref<1x16x128xf32, #tpu.memory_space<hbm>>
        %dma_start3A_22 = tpu.memref_squeeze %dma_start3A_21 : memref<1x16x128xf32, #tpu.memory_space<hbm>> -> memref<16x128xf32, #tpu.memory_space<hbm>>
        %dma_start3A_23 = arith.constant 9984 : i32
        %dma_start3A_24 = arith.constant 0 : i32
        %dma_start3A_25 = tpu.memref_slice %arg9[%dma_start3A_23, %dma_start3A_24] : memref<10000x128xf32, #tpu.memory_space<vmem_shared>> -> memref<16x128xf32, #tpu.memory_space<vmem_shared>>
        tpu.enqueue_dma source(%dma_start3A_25 : memref<16x128xf32, #tpu.memory_space<vmem_shared>>) target(%dma_start3A_22 : memref<16x128xf32, #tpu.memory_space<hbm>>) target_semaphore(%run_scoped3A : memref<!tpu.dma_semaphore, #tpu.memory_space<semaphore_mem>>)
        %dma_wait3A = arith.constant 9984 : i32
        %dma_wait3A_26 = arith.constant 0 : i32
        %dma_wait3A_27 = tpu.memref_slice %arg4[%arg0, %dma_wait3A, %dma_wait3A_26] : memref<2x10000x128xf32, #tpu.memory_space<hbm>> -> memref<1x16x128xf32, #tpu.memory_space<hbm>>
        %dma_wait3A_28 = tpu.memref_squeeze %dma_wait3A_27 : memref<1x16x128xf32, #tpu.memory_space<hbm>> -> memref<16x128xf32, #tpu.memory_space<hbm>>
        %dma_wait3A_29 = arith.constant 9984 : i32
        %dma_wait3A_30 = arith.constant 0 : i32
        %dma_wait3A_31 = tpu.memref_slice %arg9[%dma_wait3A_29, %dma_wait3A_30] : memref<10000x128xf32, #tpu.memory_space<vmem_shared>> -> memref<16x128xf32, #tpu.memory_space<vmem_shared>>
        tpu.wait_dma2 semaphore(%run_scoped3A : memref<!tpu.dma_semaphore, #tpu.memory_space<semaphore_mem>>) src(%dma_wait3A_31 : memref<16x128xf32, #tpu.memory_space<vmem_shared>>) dst(%dma_wait3A_28 : memref<16x128xf32, #tpu.memory_space<hbm>>)
        tpu.yield
      }) : () -> ()
    } else {
    }
    return
  }
}

module attributes {stable_mosaic.version = 14 : i64} {
  func.func @_mlp_body(%arg0: i32, %arg1: memref<2000x128xf32, #tpu.memory_space<vmem>>, %arg2: memref<2000x128xf32, #tpu.memory_space<vmem>>, %arg3: memref<2000x128xf32, #tpu.memory_space<vmem>>, %arg4: memref<2000x1xi32, #tpu.memory_space<vmem>>, %arg5: memref<128x128xf32, #tpu.memory_space<vmem>>, %arg6: memref<1x128xf32, #tpu.memory_space<vmem>>, %arg7: memref<128x128xf32, #tpu.memory_space<vmem>>, %arg8: memref<1x128xf32, #tpu.memory_space<vmem>>, %arg9: memref<1x128xf32, #tpu.memory_space<vmem>>, %arg10: memref<1x1xf32, #tpu.memory_space<vmem>>, %arg11: memref<1x64xf32, #tpu.memory_space<vmem>>, %arg12: memref<2000x1xf32, #tpu.memory_space<vmem>>) attributes {dimension_semantics = [#tpu.dimension_semantics<arbitrary>], iteration_bounds = array<i64: 5>, scalar_prefetch = 0 : i64, scratch_operands = 0 : i64, tpu.core_type = #tpu.core_type<tc>, window_params = [{transform_indices = @transform_0, window_bounds = array<i64: 2000, 128>}, {transform_indices = @transform_1, window_bounds = array<i64: 2000, 128>}, {transform_indices = @transform_2, window_bounds = array<i64: 2000, 128>}, {transform_indices = @transform_3, window_bounds = array<i64: 2000, 1>}, {pipeline_mode = #tpu.pipeline_mode<synchronous>, transform_indices = @transform_4, window_bounds = array<i64: 128, 128>}, {pipeline_mode = #tpu.pipeline_mode<synchronous>, transform_indices = @transform_5, window_bounds = array<i64: 1, 128>}, {pipeline_mode = #tpu.pipeline_mode<synchronous>, transform_indices = @transform_6, window_bounds = array<i64: 128, 128>}, {pipeline_mode = #tpu.pipeline_mode<synchronous>, transform_indices = @transform_7, window_bounds = array<i64: 1, 128>}, {pipeline_mode = #tpu.pipeline_mode<synchronous>, transform_indices = @transform_8, window_bounds = array<i64: 1, 128>}, {pipeline_mode = #tpu.pipeline_mode<synchronous>, transform_indices = @transform_9, window_bounds = array<i64: 1, 1>}, {pipeline_mode = #tpu.pipeline_mode<synchronous>, transform_indices = @transform_10, window_bounds = array<i64: 1, 64>}, {transform_indices = @transform_11, window_bounds = array<i64: 2000, 1>}]} {
    %get3A = arith.constant 0 : index
    %get3A_0 = arith.constant 0 : index
    %get3A_1 = vector.load %arg2[%get3A, %get3A_0] : memref<2000x128xf32, #tpu.memory_space<vmem>>, vector<2000x128xf32>
    %get3A_2 = arith.constant 0 : index
    %get3A_3 = arith.constant 0 : index
    %get3A_4 = vector.load %arg3[%get3A_2, %get3A_3] : memref<2000x128xf32, #tpu.memory_space<vmem>>, vector<2000x128xf32>
    %add3A = arith.addf %get3A_1, %get3A_4 : vector<2000x128xf32>
    %get3A_5 = arith.constant 0 : index
    %get3A_6 = arith.constant 0 : index
    %get3A_7 = vector.load %arg1[%get3A_5, %get3A_6] : memref<2000x128xf32, #tpu.memory_space<vmem>>, vector<2000x128xf32>
    %sub3A = arith.subf %add3A, %get3A_7 : vector<2000x128xf32>
    %get3A_8 = arith.constant 0 : index
    %get3A_9 = arith.constant 0 : index
    %get3A_10 = vector.load %arg5[%get3A_8, %get3A_9] : memref<128x128xf32, #tpu.memory_space<vmem>>, vector<128x128xf32>
    %convert_element_type3A = arith.truncf %sub3A : vector<2000x128xf32> to vector<2000x128xbf16>
    %convert_element_type3A_11 = arith.truncf %get3A_10 : vector<128x128xf32> to vector<128x128xbf16>
    %dot_general3A = arith.constant dense<0.000000e+00> : vector<2000x128xf32>
    %dot_general3A_12 = tpu.matmul %convert_element_type3A, %convert_element_type3A_11, %dot_general3A {dimension_numbers = #tpu.dot_dimension_numbers<[1], [0], [0], [1], [0, 0, 1, 1], [], []>, transpose_lhs_hint = false} : vector<2000x128xbf16>, vector<128x128xbf16>, vector<2000x128xf32> -> vector<2000x128xf32>
    %get3A_13 = arith.constant 0 : index
    %get3A_14 = arith.constant 0 : index
    %get3A_15 = vector.load %arg6[%get3A_13, %get3A_14] : memref<1x128xf32, #tpu.memory_space<vmem>>, vector<1x128xf32>
    %add3A_16 = vector.broadcast %get3A_15 : vector<1x128xf32> to vector<2000x128xf32>
    %add3A_17 = arith.addf %dot_general3A_12, %add3A_16 : vector<2000x128xf32>
    %max3A = arith.constant 0.000000e+00 : f32
    %max3A_18 = vector.broadcast %max3A : f32 to vector<2000x128xf32>
    %max3A_19 = arith.maximumf %add3A_17, %max3A_18 : vector<2000x128xf32>
    %get3A_20 = arith.constant 0 : index
    %get3A_21 = arith.constant 0 : index
    %get3A_22 = vector.load %arg7[%get3A_20, %get3A_21] : memref<128x128xf32, #tpu.memory_space<vmem>>, vector<128x128xf32>
    %convert_element_type3A_23 = arith.truncf %max3A_19 : vector<2000x128xf32> to vector<2000x128xbf16>
    %convert_element_type3A_24 = arith.truncf %get3A_22 : vector<128x128xf32> to vector<128x128xbf16>
    %dot_general3A_25 = arith.constant dense<0.000000e+00> : vector<2000x128xf32>
    %dot_general3A_26 = tpu.matmul %convert_element_type3A_23, %convert_element_type3A_24, %dot_general3A_25 {dimension_numbers = #tpu.dot_dimension_numbers<[1], [0], [0], [1], [0, 0, 1, 1], [], []>, transpose_lhs_hint = false} : vector<2000x128xbf16>, vector<128x128xbf16>, vector<2000x128xf32> -> vector<2000x128xf32>
    %get3A_27 = arith.constant 0 : index
    %get3A_28 = arith.constant 0 : index
    %get3A_29 = vector.load %arg8[%get3A_27, %get3A_28] : memref<1x128xf32, #tpu.memory_space<vmem>>, vector<1x128xf32>
    %add3A_30 = vector.broadcast %get3A_29 : vector<1x128xf32> to vector<2000x128xf32>
    %add3A_31 = arith.addf %dot_general3A_26, %add3A_30 : vector<2000x128xf32>
    %convert_element_type3A_32 = arith.truncf %add3A_31 : vector<2000x128xf32> to vector<2000x128xbf16>
    %convert_element_type3A_33 = arith.extf %convert_element_type3A_32 : vector<2000x128xbf16> to vector<2000x128xf32>
    %get3A_34 = arith.constant 0 : index
    %get3A_35 = arith.constant 0 : index
    %get3A_36 = vector.load %arg9[%get3A_34, %get3A_35] : memref<1x128xf32, #tpu.memory_space<vmem>>, vector<1x128xf32>
    %convert_element_type3A_37 = arith.truncf %get3A_36 : vector<1x128xf32> to vector<1x128xbf16>
    %convert_element_type3A_38 = arith.extf %convert_element_type3A_37 : vector<1x128xbf16> to vector<1x128xf32>
    %mul3A = vector.broadcast %convert_element_type3A_38 : vector<1x128xf32> to vector<2000x128xf32>
    %mul3A_39 = arith.mulf %convert_element_type3A_33, %mul3A : vector<2000x128xf32>
    %reduce_sum3A = arith.constant dense<0.000000e+00> : vector<2000xf32>
    %reduce_sum3A_40 = vector.multi_reduction <add>, %mul3A_39, %reduce_sum3A [1] : vector<2000x128xf32> to vector<2000xf32>
    %broadcast_in_dim3A = vector.shape_cast %reduce_sum3A_40 : vector<2000xf32> to vector<2000x1xf32>
    %get3A_41 = arith.constant 0 : index
    %get3A_42 = arith.constant 0 : index
    %get3A_43 = vector.load %arg10[%get3A_41, %get3A_42] : memref<1x1xf32, #tpu.memory_space<vmem>>, vector<1x1xf32>
    %add3A_44 = vector.broadcast %get3A_43 : vector<1x1xf32> to vector<2000x1xf32>
    %add3A_45 = arith.addf %broadcast_in_dim3A, %add3A_44 : vector<2000x1xf32>
    %swap3A = arith.constant 0 : index
    %swap3A_46 = arith.constant 0 : index
    %swap3A_47 = vector.load %arg12[%swap3A, %swap3A_46] : memref<2000x1xf32, #tpu.memory_space<vmem>>, vector<2000x1xf32>
    tpu.vector_store %arg12[%swap3A, %swap3A_46], %add3A_45 {strides = array<i32>} : memref<2000x1xf32, #tpu.memory_space<vmem>>, vector<2000x1xf32>,
    %iota3A = tpu.iota {dimensions = array<i32: 1>} : vector<2000x64xi32>
    %get3A_48 = arith.constant 0 : index
    %get3A_49 = arith.constant 0 : index
    %get3A_50 = vector.load %arg4[%get3A_48, %get3A_49] : memref<2000x1xi32, #tpu.memory_space<vmem>>, vector<2000x1xi32>
    %eq3A = vector.broadcast %get3A_50 : vector<2000x1xi32> to vector<2000x64xi32>
    %eq3A_51 = arith.cmpi eq, %eq3A, %iota3A : vector<2000x64xi32>
    %jit3A = arith.constant 0.000000e+00 : f32
    %broadcast_in_dim3A_52 = vector.shape_cast %add3A_45 : vector<2000x1xf32> to vector<2000x1xf32>
    %broadcast_in_dim3A_53 = vector.broadcast %broadcast_in_dim3A_52 : vector<2000x1xf32> to vector<2000x64xf32>
    %broadcast_in_dim3A_54 = vector.broadcast %jit3A : f32 to vector<2000x64xf32>
    %select_n3A = arith.select %eq3A_51, %broadcast_in_dim3A_53, %broadcast_in_dim3A_54 : vector<2000x64xi1>, vector<2000x64xf32>
    %reduce_sum3A_55 = arith.constant dense<0.000000e+00> : vector<64xf32>
    %reduce_sum3A_56 = vector.multi_reduction <add>, %select_n3A, %reduce_sum3A_55 [0] : vector<2000x64xf32> to vector<64xf32>
    %broadcast_in_dim3A_57 = vector.shape_cast %reduce_sum3A_56 : vector<64xf32> to vector<1x64xf32>
    %eq3A_58 = arith.constant 0 : i32
    %eq3A_59 = arith.cmpi eq, %arg0, %eq3A_58 : i32
    %convert_element_type3A_60 = arith.extui %eq3A_59 : i1 to i32
    %cond3A = arith.constant 0 : i32
    %cond3A_61 = arith.cmpi ne, %convert_element_type3A_60, %cond3A : i32
    scf.if %cond3A_61 {
      %broadcast_in_dim3A_69 = arith.constant 0.000000e+00 : f32
      %broadcast_in_dim3A_70 = vector.broadcast %broadcast_in_dim3A_69 : f32 to vector<1x64xf32>
      %swap3A_71 = arith.constant 0 : index
      %swap3A_72 = arith.constant 0 : index
      %swap3A_73 = vector.load %arg11[%swap3A_71, %swap3A_72] : memref<1x64xf32, #tpu.memory_space<vmem>>, vector<1x64xf32>
      tpu.vector_store %arg11[%swap3A_71, %swap3A_72], %broadcast_in_dim3A_70 {strides = array<i32>} : memref<1x64xf32, #tpu.memory_space<vmem>>, vector<1x64xf32>,
    } else {
    }
    %get3A_62 = arith.constant 0 : index
    %get3A_63 = arith.constant 0 : index
    %get3A_64 = vector.load %arg11[%get3A_62, %get3A_63] : memref<1x64xf32, #tpu.memory_space<vmem>>, vector<1x64xf32>
    %add3A_65 = arith.addf %get3A_64, %broadcast_in_dim3A_57 : vector<1x64xf32>
    %swap3A_66 = arith.constant 0 : index
    %swap3A_67 = arith.constant 0 : index
    %swap3A_68 = vector.load %arg11[%swap3A_66, %swap3A_67] : memref<1x64xf32, #tpu.memory_space<vmem>>, vector<1x64xf32>
    tpu.vector_store %arg11[%swap3A_66, %swap3A_67], %add3A_65 {strides = array<i32>} : memref<1x64xf32, #tpu.memory_space<vmem>>, vector<1x64xf32>,
    return
  }
  func.func @transform_0(%arg0: i32) -> (i32, i32) {
    %c0_i32 = arith.constant 0 : i32
    %c0_i32_0 = arith.constant 0 : i32
    return %arg0, %c0_i32 : i32, i32
  }
  func.func @transform_1(%arg0: i32) -> (i32, i32) {
    %c0_i32 = arith.constant 0 : i32
    %c0_i32_0 = arith.constant 0 : i32
    return %arg0, %c0_i32 : i32, i32
  }
  func.func @transform_2(%arg0: i32) -> (i32, i32) {
    %c0_i32 = arith.constant 0 : i32
    %c0_i32_0 = arith.constant 0 : i32
    return %arg0, %c0_i32 : i32, i32
  }
  func.func @transform_3(%arg0: i32) -> (i32, i32) {
    %c0_i32 = arith.constant 0 : i32
    %c0_i32_0 = arith.constant 0 : i32
    return %arg0, %c0_i32 : i32, i32
  }
  func.func @transform_4(%arg0: i32) -> (i32, i32) {
    %c0_i32 = arith.constant 0 : i32
    %c0_i32_0 = arith.constant 0 : i32
    %c0_i32_1 = arith.constant 0 : i32
    return %c0_i32, %c0_i32_0 : i32, i32
  }
  func.func @transform_5(%arg0: i32) -> (i32, i32) {
    %c0_i32 = arith.constant 0 : i32
    %c0_i32_0 = arith.constant 0 : i32
    %c0_i32_1 = arith.constant 0 : i32
    return %c0_i32, %c0_i32_0 : i32, i32
  }
  func.func @transform_6(%arg0: i32) -> (i32, i32) {
    %c0_i32 = arith.constant 0 : i32
    %c0_i32_0 = arith.constant 0 : i32
    %c0_i32_1 = arith.constant 0 : i32
    return %c0_i32, %c0_i32_0 : i32, i32
  }
  func.func @transform_7(%arg0: i32) -> (i32, i32) {
    %c0_i32 = arith.constant 0 : i32
    %c0_i32_0 = arith.constant 0 : i32
    %c0_i32_1 = arith.constant 0 : i32
    return %c0_i32, %c0_i32_0 : i32, i32
  }
  func.func @transform_8(%arg0: i32) -> (i32, i32) {
    %c0_i32 = arith.constant 0 : i32
    %c0_i32_0 = arith.constant 0 : i32
    %c0_i32_1 = arith.constant 0 : i32
    return %c0_i32, %c0_i32_0 : i32, i32
  }
  func.func @transform_9(%arg0: i32) -> (i32, i32) {
    %c0_i32 = arith.constant 0 : i32
    %c0_i32_0 = arith.constant 0 : i32
    %c0_i32_1 = arith.constant 0 : i32
    return %c0_i32, %c0_i32_0 : i32, i32
  }
  func.func @transform_10(%arg0: i32) -> (i32, i32) {
    %c0_i32 = arith.constant 0 : i32
    %c0_i32_0 = arith.constant 0 : i32
    %c0_i32_1 = arith.constant 0 : i32
    return %c0_i32, %c0_i32_0 : i32, i32
  }
  func.func @transform_11(%arg0: i32) -> (i32, i32) {
    %c0_i32 = arith.constant 0 : i32
    %c0_i32_0 = arith.constant 0 : i32
    return %arg0, %c0_i32 : i32, i32
  }
}

</mosaic_0001>

<sc_bundles>
// kernel: kernel.4.cloned.1.call-start
scs
__scs_entry_jumppad:
0x0: {  	(pc) =	sbr.rel $0x88, $3  }
0x1: {  	(tag) =	ssettag $0x0;
	lr =	simm.s32 $0x1  }
0x2: {  	[smem:$0x3F98] =	sst lr;
	_ =	strace $0xD0000000  }
0x3: {  	_ = 	snop  }
0x4: {  	_ = 	snop  }
0x5: {  	_ = 	snop  }
0x6: {  	_ = 	snop  }
0x7: {  	_ = 	snop  }
__scs_overlays_trampoline_lowered:
0x8: {  	[smem:$0x3FA7] =	sst s0  }
0x9: {  	[smem:$0x3FA8] =	sst s1  }
0xa: {  	[smem:$0x3FA9] =	sst s2  }
0xb: {  	[smem:$0x3FAA] =	sst s3  }
0xc: {  	[smem:$0x3FAB] =	sst s4  }
0xd: {  	[smem:$0x3FAC] =	sst s5  }
0xe: {  	[smem:$0x3FAD] =	sst s6  }
0xf: {  	[smem:$0x3FAE] =	sst s7  }
0x10: {  	[smem:$0x3FAF] =	sst s8  }
0x11: {  	[smem:$0x3FB0] =	sst s9;
	s0 =	simm.s32 @!p0 $0x0  }
0x12: {  	s1 =	sld [smem:$0x3F96];
	s0 =	simm.s32 @p0 $0x1  }
0x13: {  	[smem:$0x3FB1] =	sst s0;
	s0 =	simm.s32 @!p1 $0x0  }
0x14: {  	s2 =	sld [smem:$0x3F95];
	s0 =	simm.s32 @p1 $0x1  }
0x15: {  	[smem:$0x3FB2] =	sst s0;
	s0 =	simm.s32 @!p2 $0x0  }
0x16: {  	s3 =	sld [smem:$0x3FDB];
	s0 =	simm.s32 @p2 $0x1  }
0x17: {  	s4 =	simm.s32 $0x1BF5;
	[smem:$0x3FB4] =	sst s0  }
0x18: {  	s0 =	sld [smem:$0x3F97];
	_ =	swait.ge [sflag:s4], $0x0  }
0x19: {  	s7 =	sld [smem:$0x3F98]  }
0x1a: {  	s8 =	sadd.s32 $0xFFFFE003, lr  }
0x1b: {  	s9 =	sadd.s32 $0xFFFFFEF7, lr;
	s5 =	simm.s32 $0xFFFFFFFF;
	p2 =	slt.u32 s8, $0xFFFFF086  }
0x1c: {  	p1 =	slt.u32 s9, $0xF7A;
	s5 =	simm.s32 @!p2 $0x0  }
0x1d: {  	s5 =	simm.s32 @p1 $0x1;
	p0 =	seq.s32 s7, s2  }
0x1e: {  	s7 =	smul.u32 @!p0 $0xF7A, s2;
	p2 =	seq.s32 @!p0 s5, $0x0  }
0x1f: {  	s9 =	smul.u32 $0xF7A, s1;
	s8 =	simm.s32 @!p0 $0x1BF5;
	p2 =	por !p2, p0  }
0x20: {  	[sflag:s8] =	ssyncset.s32 @!p0 $0xFFFFF086;
	s6 =	sadd.s32 @!p0 s3, s7;
	s7 =	simm.s32 @!p0 $0x108  }
0x21: {  	s3 =	sadd.s32 s3, s9;
	s6 =	sadd.s32 @!p0 $0x88, s6;
	s7 =	simm.s32 @p2 $0x1082  }
0x22: {  	[simem:s7], [sflag:s8] =	dma.local @!p0 [hbm:s6], $0xF7A  }
0x23: {  	s9 =	sor.u32 $0xD0000000, s2;
	s6 =	simm.s32 $0x108;
	_ =	swait.ge @!p0 [sflag:s8], $0x0  }
0x24: {  	s3 =	sadd.s32 $0x88, s3;
	s6 =	simm.s32 @!p1 $0x1082;
	[sflag:s4] =	ssyncset.s32 $0xFFFFF086  }
0x25: {  	[simem:s6], [sflag:s4] =	dma.local [hbm:s3], $0xF7A  }
0x26: {  	[smem:$0x3F98] =	sst s1;
	(tag) =	ssettag s2;
	_ =	strace s9  }
0x27: {  	s1 =	sld [smem:$0x3FA8]  }
0x28: {  	s2 =	sld [smem:$0x3FA9]  }
0x29: {  	s4 =	sld [smem:$0x3FAB]  }
0x2a: {  	p0 =	seq.s32 s5, $0x0;
	s5 =	sld [smem:$0x3FAC]  }
0x2b: {  	s6 =	sld [smem:$0x3FAD]  }
0x2c: {  	s7 =	sld [smem:$0x3FAE]  }
0x2d: {  	s3 =	simm.s32 $0x108;
	s8 =	sld [smem:$0x3FAF]  }
0x2e: {  	s3 =	simm.s32 @!p0 $0x1082;
	s9 =	sld [smem:$0x3FB0]  }
0x2f: {  	lr =	sadd.s32 s0, s3;
	s0 =	sld [smem:$0x3FA7]  }
0x30: {  	s3 =	sld [smem:$0x3FAA]  }
0x31: {  	[smem:$0x3FB3] =	sst s10  }
0x32: {  	s10 =	sld [smem:$0x3FB1];
	_ =	sdelay $0x3  }
0x33: {  	p0 =	seq.s32 s10, $0x1;
	s10 =	sld [smem:$0x3FB3];
	_ =	sdelay $0x3  }
0x34: {  	[smem:$0x3FB3] =	sst s10  }
0x35: {  	s10 =	sld [smem:$0x3FB2];
	_ =	sdelay $0x3  }
0x36: {  	p1 =	seq.s32 s10, $0x1;
	s10 =	sld [smem:$0x3FB3];
	_ =	sdelay $0x3  }
0x37: {  	[smem:$0x3FB3] =	sst s10  }
0x38: {  	s10 =	sld [smem:$0x3FB4]  }
0x39: {  	_ = 	snop;
	(pc) =	sbr.ind lr, $3  }
0x3a: {  	_ = 	snop  }
0x3b: {  	_ = 	snop  }
0x3c: {  	p2 =	seq.s32 s10, $0x1;
	s10 =	sld [smem:$0x3FB3]  }
0x3d: {  	_ =	shalt  }
0x3e: {  	_ =	shalt  }
0x3f: {  	_ =	shalt  }
0x40: {  	_ =	shalt  }
0x41: {  	_ =	shalt  }
0x42: {  	_ =	shalt  }
0x43: {  	_ =	shalt  }
0x44: {  	_ =	shalt  }
0x45: {  	_ =	shalt  }
0x46: {  	_ =	shalt  }
0x47: {  	_ =	shalt  }
0x48: {  	_ =	shalt  }
0x49: {  	_ =	shalt  }
0x4a: {  	_ =	shalt  }
0x4b: {  	_ =	shalt  }
0x4c: {  	_ =	shalt  }
0x4d: {  	_ =	shalt  }
0x4e: {  	_ =	shalt  }
0x4f: {  	_ =	shalt  }
0x50: {  	_ =	shalt  }
0x51: {  	_ =	shalt  }
0x52: {  	_ =	shalt  }
0x53: {  	_ =	shalt  }
0x54: {  	_ =	shalt  }
0x55: {  	_ =	shalt  }
0x56: {  	_ =	shalt  }
0x57: {  	_ =	shalt  }
0x58: {  	_ =	shalt  }
0x59: {  	_ =	shalt  }
0x5a: {  	_ =	shalt  }
0x5b: {  	_ =	shalt  }
0x5c: {  	_ =	shalt  }
0x5d: {  	_ =	shalt  }
0x5e: {  	_ =	shalt  }
0x5f: {  	_ =	shalt  }
0x60: {  	_ =	shalt  }
0x61: {  	_ =	shalt  }
0x62: {  	_ =	shalt  }
0x63: {  	_ =	shalt  }
0x64: {  	_ =	shalt  }
0x65: {  	_ =	shalt  }
0x66: {  	_ =	shalt  }
0x67: {  	_ =	shalt  }
0x68: {  	_ =	shalt  }
0x69: {  	_ =	shalt  }
0x6a: {  	_ =	shalt  }
0x6b: {  	_ =	shalt  }
0x6c: {  	_ =	shalt  }
0x6d: {  	_ =	shalt  }
0x6e: {  	_ =	shalt  }
0x6f: {  	_ =	shalt  }
0x70: {  	_ =	shalt  }
0x71: {  	_ =	shalt  }
0x72: {  	_ =	shalt  }
0x73: {  	_ =	shalt  }
0x74: {  	_ =	shalt  }
0x75: {  	_ =	shalt  }
0x76: {  	_ =	shalt  }
0x77: {  	_ =	shalt  }
0x78: {  	_ =	shalt  }
0x79: {  	_ =	shalt  }
0x7a: {  	_ =	shalt  }
0x7b: {  	_ =	shalt  }
0x7c: {  	_ =	shalt  }
0x7d: {  	_ =	shalt  }
0x7e: {  	_ =	shalt  }
0x7f: {  	_ =	shalt  }
0x80: {  	_ =	shalt  }
0x81: {  	_ =	shalt  }
0x82: {  	_ =	shalt  }
0x83: {  	_ =	shalt  }
0x84: {  	_ =	shalt  }
0x85: {  	_ =	shalt  }
0x86: {  	_ =	shalt  }
0x87: {  	_ =	shalt  }
.Lfunc_end0:
.L_simem_size_0:
called_computation_lowered:
.L_overlay_start_0:
0x88: {  	s2 =	sld [smem:$0x3FD9]  }
0x89: {  	s3 =	sld [smem:$0x3FFE];
	_ =	sdelay $0x1  }
0x8a: {  	s1 =	srdreg.scid  }
0x8b: {  	s0 =	sand.u32 $0x1, s1  }
0x8c: {  	s17 =	sshll.u32 s0, $0xA;
	s2 =	sadd.s32 s3, s2  }
0x8d: {  	s2 =	sadd.s32 s2, s17  }
0x8e: {  	[smem:$0x3FBF] =	sst s2  }
0x8f: {  	_ = 	snop  }
0x90: {  	s2 =	sld [smem:$0x3FC9];
	(tm) =	ssettm $0x1  }
0x91: {  	s18 =	sld [smem:$0x3FFB];
	_ =	sdelay $0x3  }
0x92: {  	_ =	strace s18  }
0x93: {  	s3 =	sld [smem:$0x3FFC];
	_ =	sdelay $0x3  }
0x94: {  	_ =	strace s3  }
0x95: {  	s3 =	sld [smem:$0x3FFD];
	_ =	sdelay $0x3  }
0x96: {  	_ =	strace s3  }
0x97: {  	_ =	strace $0x8FFFFFFF  }
0x98: {  	s19 =	sld [smem:$0x3FDB];
	_ =	sdelay $0x1  }
0x99: {  	s4 =	simm.s32 $_scs_section_size  }
0x9a: {  	s5 =	simm.s32 $_size__tile_overlayer_lowered;
	s6 =	simm.s32 $_tile_overlayer_lowered  }
0x9b: {  	s22 =	simm.s32 $0x1BFF;
	s21 =	sshll.u32 s6, $0x1;
	s3 =	sadd.s32 s4, s19  }
0x9c: {  	s7 =	simm.s32 $0x0;
	s20 =	sshll.u32 s5, $0x1;
	s5 =	sadd.s32 s21, s3  }
0x9d: {  	[timem:s7], [sflag:s22] =	dma.local [hbm:s5], s20  }
0x9e: {  	_ =	swait.ge [sflag:s22], s20  }
0x9f: {  	s4 =	ssub.s32 $0x0, s20;
	[sflag:s22] =	ssyncset.done $0x0  }
0xa0: {  	[sflag:s22] =	ssyncadd.s32 s4;
	_ =	sdelay $0x1  }
0xa1: {  	s23 =	simm.s32 $0x1B8B  }
0xa2: {  	_ =	swait.ge [sflag:s23], $0x1  }
0xa3: {  	[sflag:s23] =	ssyncset.done $0x0  }
0xa4: {  	s25 =	simm.s32 $0x1B8E;
	s24 =	sld [smem:$0x3FFE];
	[sflag:s23] =	ssyncadd.s32 $0xFFFFFFFF  }
0xa5: {  	s26 =	simm.s32 $execute0_lowered;
	[smem:$0x3FD2] =	sst s25  }
0xa6: {  	s5 =	sshll.u32 s26, $0x1;
	_ =	strace $0x80000046;
	[dreg:$0x1] =	wrdreg $0xFFFFFFFF  }
0xa7: {  	s28 =	simm.s32 $_size_execute0_lowered;
	s3 =	sadd.s32 s3, s5;
	[dreg:$0x0] =	wrdreg $0x0  }
0xa8: {  	s5 =	sshll.u32 s28, $0x1;
	[dreg:$0x2] =	wrdreg s3  }
0xa9: {  	[dreg:$0x3] =	wrdreg s5  }
0xaa: {  	[dreg:$0x4] =	wrdreg $0xC0  }
0xab: {  	_ =	task [dreg:s7], $0x5FFFF  }
0xac: {  	[dreg:$0x1] =	wrdreg $0xFFFFFFFF  }
0xad: {  	[dreg:$0x0] =	wrdreg $0x60  }
0xae: {  	[dreg:$0x2] =	wrdreg s2  }
0xaf: {  	[dreg:$0x3] =	wrdreg s24  }
0xb0: {  	[dreg:$0x4] =	wrdreg $0xA8000  }
0xb1: {  	[dreg:$0x5] =	wrdreg $0x9  }
0xb2: {  	_ =	task.clear_ibuf [dreg:s7], $0x6FFFF;
	_ =	strace $0x90000046  }
0xb3: {  	s29 =	simm.s32 $0x9;
	_ =	strace $0x80000048  }
0xb4: {  	_ =	swait.ge [sflag:s29], $0x1  }
0xb5: {  	[sflag:s29] =	ssyncadd.s32 $0xFFFFFFFF  }
0xb6: {  	_ =	strace $0x90000048  }
0xb7: {  	_ =	sfence  }
0xb8: {  	s30 =	sld [smem:$0x0];
	_ =	sdelay $0x2  }
0xb9: {  	s31 =	sshll.u32 s1, $0xD;
	s1 =	sshrl.u32 s1, $0x2  }
0xba: {  	s3 =	sand.u32 $0x4000, s31;
	s1 =	sadd.s32 s1, s30  }
0xbb: {  	s0 =	sor.u32 s3, s0;
	s1 =	sshll.u32 s1, $0x11  }
0xbc: {  	s0 =	sor.u32 s1, s0  }
0xbd: {  	s0 =	sadd.s32 $0x8F2B, s0  }
0xbe: {  	[sflag:s0] =	ssyncadd.remote.s32 $0x1  }
0xbf: {  	_ =	sfence.sel $0xFFFF  }
0xc0: {  	[dreg:$0x0] =	wrdreg $0xFFFFFFFF;
	(pc) =	sbr.abs _section_cstart, $3  }
0xc1: {  	[dreg:$0x1] =	wrdreg $0xFFFFFFFF  }
0xc2: {  	_ =	task.clear_ibuf [dreg:s7], $0x2FFFF;
	_ =	strace $0x9FFFFFFF  }
0xc3: {  	(tm) =	ssettm $0x7FFFFFFF  }
tec
execute0_lowered:
.L_overlay_start_1:
0x0: {  	(tag) =	ssettag $0x1  }
0x1: {  	s1 =	rddreg [dreg:$0x0]  }
0x2: {  	s0 =	rddreg [dreg:$0x1]  }
0x3: {  	s2 =	rddreg [dreg:$0x2]  }
0x4: {  	s3 =	simm.s32 $0x0;
	s4 =	srdreg.scid;
	s21 =	stileid.u32  }
0x5: {  	s22 =	simm.s32 $0x2800;
	s23 =	simm.s32 $0x80;
	s28 =	simm.s32 $0x0  }
0x6: {  	[smem:$0x7FF] =	sst s3;
	s16 =	sadd.s32 $0x1C00, s0;
	s4 =	sand.u32 $0x1, s4  }
0x7: {  	s11 =	sadd.s32 $0x15C00, s0;
	s6 =	smul.u32 $0x4E000, s21;
	s8 =	sshll.u32 s21, $0x1  }
0x8: {  	s10 =	smul.u32 $0x13800, s21;
	s29 =	sshll.u32 s21, $0x6;
	s9 =	sadd.s32 $0x27000, s1  }
0x9: {  	s15 =	smul.u32 $0xFFFFFF60, s21;
	s0 =	sadd.s32 $0xBC00, s0;
	p0 =	sne.s32 s21, $0xF  }
0xa: {  	s21 =	simm.s32 $0x3;
	_ =	strace $0x80000047;
	s14 =	smul.u32 $0x138800, s4  }
0xb: {  	s5 =	ssub.s32 $0x2, s4;
	s25 =	sor.u32 s4, s8;
	s4 =	smul.u32 $0xFFFFFFB0, s4  }
0xc: {  	s8 =	sadd.s32 $0x138000, s2;
	s7 =	sshrl.u32 s5, $0x1;
	s13 =	smul.u32 $0xFFFFFFB0, s25  }
0xd: {  	s24 =	sshrl.u32 s6, $0x2;
	s26 =	sshrl.u32 s10, $0x3;
	s19 =	smul.u32 $0x500, s25  }
0xe: {  	p1 =	seq.s32 s25, $0x1F;
	s25 =	simm.s32 $0x1;
	s12 =	ssub.s32 s5, s7  }
0xf: {  	s5 =	sadd.s32 s24, s2;
	s6 =	sadd.s32 s1, s26;
	s7 =	sor.u32 $0x1C03, s29  }
0x10: {  	s10 =	sadd.s32 s10, s14;
	s14 =	sshrl.u32 s14, $0x3;
	s4 =	sadd.s32 s15, s4  }
0x11: {  	s24 =	simm.s32 $0x6800;
	s26 =	simm.s32 $0x2;
	[dreg:$0x4] =	wrdreg s5  }
0x12: {  	s13 =	sadd.s32 $0x9C4, s13;
	s10 =	sshrl.u32 s10, $0x3;
	s4 =	sadd.s32 $0x9C4, s4  }
0x13: {  	s12 =	smax.u32 s12, $0x1;
	s15 =	sadd.s32 s19, s0;
	s17 =	smin.u32 s13, $0x50  }
0x14: {  	s10 =	sadd.s32 s11, s10;
	s11 =	sadd.s32 s11, s14;
	s18 =	smin.u32 s4, $0x50  }
.Ltmp0:
0x15: {  	s14 =	sadd.s32 s16, s19;
	s19 =	sadd.s32 $0x280, s19;
	(pc) =	sbr.rel .LBB2_1-.Ltmp0, $4  }
0x16: {  	s4 =	smin.u32 s4, $0x28;
	s13 =	smin.u32 s13, $0x28;
	s31 =	sadd.s32 s16, s19  }
0x17: {  	s18 =	sadd.s32 $0xFFFFFFD8, s18;
	s0 =	sadd.s32 s19, s0;
	[dreg:$0x6] =	wrdreg s31  }
0x18: {  	s11 =	sadd.s32 $0x27000, s11;
	s30 =	sshrl.u32 s18, $0x1;
	[dreg:$0x7] =	wrdreg s0  }
0x19: {  	s17 =	sadd.s32 $0xFFFFFFD8, s17;
	s20 =	sshll.u32 s4, $0x9;
	[dreg:$0x5] =	wrdreg s30  }
.LBB2_6:
0x1a: {  	[sflag:s21] =	ssyncset.done $0x0  }
0x1b: {  	[sflag:s21] =	ssyncadd.s32 $0xFFFFC000  }
.LBB2_7:
0x1c: {  	[bflag:$0x0] =	sbarrier.arrive $0xFFFF  }
0x1d: {  	[hbm:s10], [sflag:s7] =	dma.local [spmem:s29], $0x2700  }
0x1e: {  	s28 =	sadd.s32 $0x1, s28;
	_ =	swait.ge [sflag:s21], $0x2700  }
0x1f: {  	p2 =	sne.s32 s28, s12;
	[sflag:s21] =	ssyncset.done $0x0  }
.Ltmp1:
0x20: {  	s0 =	simm.s32 @!p0 $0x3;
	[sflag:s21] =	ssyncadd.s32 $0xFFFFD900;
	(pc) =	sbr.rel @!p2 .LBB2_8-.Ltmp1, $4  }
0x21: {  	[hbm:s11], [sflag:s7] =	dma.local @!p0 [spmem:s30], $0x100  }
0x22: {  	_ =	swait.ge @!p0 [sflag:s0], $0x100  }
0x23: {  	[sflag:s0] =	ssyncset.done @!p0 $0x0  }
0x24: {  	[sflag:s0] =	ssyncadd.s32 @!p0 $0xFFFFFF00  }
.LBB2_1:
0x25: {  	s0 =	rddreg [dreg:$0x4]  }
0x26: {  	s29 =	sshrl.u32 s0, $0x3  }
0x27: {  	[spmem:s29], [sflag:s7] =	dma.local [hbm:s6], $0x2700  }
0x28: {  	_ =	swait.ge [sflag:s21], $0x2700  }
0x29: {  	[sflag:s21] =	ssyncset.done $0x0  }
0x2a: {  	s30 =	sshrl.u32 @!p0 s8, $0x3;
	s0 =	simm.s32 @!p0 $0x3;
	[sflag:s21] =	ssyncadd.s32 $0xFFFFD900  }
0x2b: {  	[spmem:s30], [sflag:s7] =	dma.local @!p0 [hbm:s9], $0x100  }
0x2c: {  	_ =	swait.ge @!p0 [sflag:s0], $0x100  }
0x2d: {  	[sflag:s0] =	ssyncset.done @!p0 $0x0  }
0x2e: {  	[sflag:s0] =	ssyncadd.s32 @!p0 $0xFFFFFF00  }
0x2f: {  	[bflag:$0x0] =	sbarrier.arrive $0xFFFF  }
0x30: {  	[tilespmem:s3], [sflag:$0x3] =	stream.linear.gather [hbm4b:s14+s3], $0x1400, $0x38;
	[tilespmem:$0x1E080] =	vst v63  }
0x31: {  	_ =	swait.ge [sflag:s21], $0x1400  }
0x32: {  	[sflag:s21] =	ssyncset.done $0x0  }
0x33: {  	s31 =	simm.s32 $0x1400;
	[sflag:s21] =	ssyncadd.s32 $0xFFFFEC00  }
0x34: {  	[tilespmem:s31], [sflag:$0x3] =	stream.linear.gather [hbm4b:s15+s3], $0x1400, $0x38;
	[tilespmem:$0x1E080] =	vst v63  }
0x35: {  	_ =	swait.ge [sflag:s21], $0x1400  }
0x36: {  	[sflag:s21] =	ssyncset.done $0x0  }
0x37: {  	[sflag:s21] =	ssyncadd.s32 $0xFFFFEC00  }
0x38: {  	[tilespmem:s22], [sflag:$0x1] =	stream.indirect.gather [hbm4b:s1+s23], $0x80, s3, s23, $0xb8;
	[tilespmem:$0x1E080] =	vst v63  }
0x39: {  	_ = 	snop  }
0x3a: {  	[tilespmem:s24], [sflag:$0x2] =	stream.indirect.gather [hbm4b:s1+s23], $0x80, s23, s23, $0xb8;
	[tilespmem:$0x1E080] =	vst v63  }
0x3b: {  	_ =	swait.ge [sflag:s25], $0x4000  }
0x3c: {  	[sflag:s25] =	ssyncset.done $0x0  }
0x3d: {  	[sflag:s25] =	ssyncadd.s32 $0xFFFFC000  }
0x3e: {  	[spmem:s2] =	stream.indirect.scatter.add.f32 [tilespmem:s22], [sflag:$0x3], $0x80, s31, s23, $0xb8;
	[tilespmem:$0x1E080] =	vst v63  }
0x3f: {  	p2 =	sle.u32 s13, $0x2;
	_ =	swait.ge [sflag:s21], $0x4000  }
0x40: {  	s4 =	simm.s32 @!p2 $0x80;
	[sflag:s21] =	ssyncset.done $0x0  }
0x41: {  	s16 =	simm.s32 @!p2 $0x2800;
	s0 =	simm.s32 @!p2 $0x100;
	[sflag:s21] =	ssyncadd.s32 $0xFFFFC000  }
0x42: {  	[tilespmem:s16], [sflag:$0x1] =	stream.indirect.gather @!p2 [hbm4b:s1+s4], $0x80, s0, s4, $0xb8;
	[tilespmem:$0x1E080] =	vst v63  }
0x43: {  	s0 =	sadd.s32 $0xFFFFFC00, s20  }
0x44: {  	p2 =	sne.s32 s0, $0x0  }
.Ltmp2:
0x45: {  	_ =	swait.ge [sflag:s26], $0x4000;
	(pc) =	sbr.rel @!p2 .LBB2_3-.Ltmp2, $4  }
0x46: {  	[sflag:s26] =	ssyncset.done $0x0  }
0x47: {  	s19 =	simm.s32 $0x1480;
	[sflag:s26] =	ssyncadd.s32 $0xFFFFC000  }
0x48: {  	[spmem:s2] =	stream.indirect.scatter.add.f32 [tilespmem:s24], [sflag:$0x3], $0x80, s19, s23, $0xb8;
	[tilespmem:$0x1E080] =	vst v63  }
0x49: {  	s4 =	simm.s32 $0x180;
	s16 =	simm.s32 $0x4;
	_ =	swait.ge [sflag:s21], $0x4000  }
.LBB2_2:
0x4a: {  	s0 =	sadd.s32 $0xFFFFFC00, s0;
	[sflag:s21] =	ssyncset.done $0x0;
	s31 =	sadd.s32 $0x100, s31  }
0x4b: {  	p2 =	sne.s32 s0, $0x0;
	[sflag:s21] =	ssyncadd.s32 $0xFFFFC000  }
0x4c: {  	[tilespmem:s24], [sflag:$0x2] =	stream.indirect.gather [hbm4b:s1+s23], $0x80, s4, s23, $0xb8;
	[tilespmem:$0x1E080] =	vst v63  }
0x4d: {  	_ =	swait.ge [sflag:s25], $0x4000  }
0x4e: {  	[sflag:s25] =	ssyncset.done $0x0  }
0x4f: {  	[sflag:s25] =	ssyncadd.s32 $0xFFFFC000  }
0x50: {  	[spmem:s2] =	stream.indirect.scatter.add.f32 [tilespmem:s22], [sflag:$0x3], $0x80, s31, s23, $0xb8;
	[tilespmem:$0x1E080] =	vst v63  }
0x51: {  	p3 =	sge.u32 s16, s13;
	_ =	swait.ge [sflag:s21], $0x4000  }
0x52: {  	s18 =	sadd.s32 @!p3 $0x80, s4;
	s19 =	simm.s32 @!p3 $0x80;
	[sflag:s21] =	ssyncset.done $0x0  }
0x53: {  	s5 =	simm.s32 @!p3 $0x2800;
	[sflag:s21] =	ssyncadd.s32 $0xFFFFC000  }
0x54: {  	[tilespmem:s5], [sflag:$0x1] =	stream.indirect.gather @!p3 [hbm4b:s1+s19], $0x80, s18, s19, $0xb8;
	[tilespmem:$0x1E080] =	vst v63  }
.Ltmp3:
0x55: {  	_ =	swait.ge [sflag:s26], $0x4000;
	(pc) =	sbr.rel @p2 .LBB2_2-.Ltmp3, $4  }
0x56: {  	s5 =	sadd.s32 $0x80, s31;
	[sflag:s26] =	ssyncset.done $0x0  }
0x57: {  	[sflag:s26] =	ssyncadd.s32 $0xFFFFC000  }
0x58: {  	[spmem:s2] =	stream.indirect.scatter.add.f32 [tilespmem:s24], [sflag:$0x3], $0x80, s5, s23, $0xb8;
	[tilespmem:$0x1E080] =	vst v63  }
0x59: {  	s16 =	sadd.s32 $0x2, s16;
	s4 =	sadd.s32 $0x100, s4;
	_ =	swait.ge [sflag:s21], $0x4000  }
.LBB2_3:
.Ltmp4:
0x5a: {  	(pc) =	sbr.rel @p1 .LBB2_7-.Ltmp4, $3  }
0x5b: {  	_ =	sdelay $0x1  }
0x5c: {  	[sflag:s21] =	ssyncset.done $0x0  }
0x5d: {  	[sflag:s21] =	ssyncadd.s32 $0xFFFFC000  }
0x5e: {  	s0 =	rddreg [dreg:$0x6]  }
0x5f: {  	[tilespmem:s3], [sflag:$0x3] =	stream.linear.gather [hbm4b:s0+s3], $0x1400, $0x38;
	[tilespmem:$0x1E080] =	vst v63  }
0x60: {  	_ =	swait.ge [sflag:s21], $0x1400  }
0x61: {  	[sflag:s21] =	ssyncset.done $0x0  }
0x62: {  	s31 =	simm.s32 $0x1400;
	s5 =	rddreg [dreg:$0x7];
	[sflag:s21] =	ssyncadd.s32 $0xFFFFEC00  }
0x63: {  	[tilespmem:s31], [sflag:$0x3] =	stream.linear.gather [hbm4b:s5+s3], $0x1400, $0x38;
	[tilespmem:$0x1E080] =	vst v63  }
0x64: {  	_ =	swait.ge [sflag:s21], $0x1400  }
0x65: {  	[sflag:s21] =	ssyncset.done $0x0  }
0x66: {  	s16 =	simm.s32 $0x80;
	[sflag:s21] =	ssyncadd.s32 $0xFFFFEC00  }
0x67: {  	[tilespmem:s22], [sflag:$0x1] =	stream.indirect.gather [hbm4b:s1+s16], $0x80, s3, s16, $0xb8;
	[tilespmem:$0x1E080] =	vst v63  }
0x68: {  	_ = 	snop  }
0x69: {  	[tilespmem:s24], [sflag:$0x2] =	stream.indirect.gather [hbm4b:s1+s23], $0x80, s16, s23, $0xb8;
	[tilespmem:$0x1E080] =	vst v63  }
0x6a: {  	_ =	swait.ge [sflag:s25], $0x4000  }
0x6b: {  	[sflag:s25] =	ssyncset.done $0x0  }
0x6c: {  	[sflag:s25] =	ssyncadd.s32 $0xFFFFC000  }
0x6d: {  	[spmem:s2] =	stream.indirect.scatter.add.f32 [tilespmem:s22], [sflag:$0x3], $0x80, s31, s23, $0xb8;
	[tilespmem:$0x1E080] =	vst v63  }
0x6e: {  	p2 =	sle.s32 s17, $0x2;
	_ =	swait.ge [sflag:s21], $0x4000  }
0x6f: {  	s0 =	simm.s32 @!p2 $0x100;
	[sflag:s21] =	ssyncset.done $0x0  }
0x70: {  	s4 =	simm.s32 @!p2 $0x80;
	s5 =	simm.s32 @!p2 $0x2800;
	[sflag:s21] =	ssyncadd.s32 $0xFFFFC000  }
0x71: {  	[tilespmem:s5], [sflag:$0x1] =	stream.indirect.gather @!p2 [hbm4b:s1+s4], $0x80, s0, s4, $0xb8;
	[tilespmem:$0x1E080] =	vst v63  }
0x72: {  	_ =	swait.ge [sflag:s26], $0x4000  }
0x73: {  	s18 =	rddreg [dreg:$0x5]  }
0x74: {  	s0 =	sadd.s32 $0xFFFFFFFF, s18  }
0x75: {  	p2 =	sne.s32 s0, $0x0  }
.Ltmp5:
0x76: {  	_ = 	snop;
	(pc) =	sbr.rel @!p2 .LBB2_6-.Ltmp5, $4  }
0x77: {  	[sflag:s26] =	ssyncset.done $0x0  }
0x78: {  	s19 =	simm.s32 $0x1480;
	[sflag:s26] =	ssyncadd.s32 $0xFFFFC000  }
0x79: {  	[spmem:s2] =	stream.indirect.scatter.add.f32 [tilespmem:s24], [sflag:$0x3], $0x80, s19, s23, $0xb8;
	[tilespmem:$0x1E080] =	vst v63  }
0x7a: {  	s16 =	simm.s32 $0x4;
	s4 =	simm.s32 $0x180;
	_ =	swait.ge [sflag:s21], $0x4000  }
.LBB2_5:
0x7b: {  	s0 =	sadd.s32 $0xFFFFFFFF, s0;
	[sflag:s21] =	ssyncset.done $0x0;
	s31 =	sadd.s32 $0x100, s31  }
0x7c: {  	p2 =	sne.s32 s0, $0x0;
	[sflag:s21] =	ssyncadd.s32 $0xFFFFC000  }
0x7d: {  	[tilespmem:s24], [sflag:$0x2] =	stream.indirect.gather [hbm4b:s1+s23], $0x80, s4, s23, $0xb8;
	[tilespmem:$0x1E080] =	vst v63  }
0x7e: {  	_ =	swait.ge [sflag:s25], $0x4000  }
0x7f: {  	[sflag:s25] =	ssyncset.done $0x0  }
0x80: {  	[sflag:s25] =	ssyncadd.s32 $0xFFFFC000  }
0x81: {  	[spmem:s2] =	stream.indirect.scatter.add.f32 [tilespmem:s22], [sflag:$0x3], $0x80, s31, s23, $0xb8;
	[tilespmem:$0x1E080] =	vst v63  }
0x82: {  	p3 =	sge.s32 s16, s17;
	_ =	swait.ge [sflag:s21], $0x4000  }
0x83: {  	s5 =	sadd.s32 @!p3 $0x80, s4;
	s18 =	simm.s32 @!p3 $0x80;
	[sflag:s21] =	ssyncset.done $0x0  }
0x84: {  	s19 =	simm.s32 @!p3 $0x2800;
	[sflag:s21] =	ssyncadd.s32 $0xFFFFC000  }
0x85: {  	[tilespmem:s19], [sflag:$0x1] =	stream.indirect.gather @!p3 [hbm4b:s1+s18], $0x80, s5, s18, $0xb8;
	[tilespmem:$0x1E080] =	vst v63  }
.Ltmp6:
0x86: {  	_ =	swait.ge [sflag:s26], $0x4000;
	(pc) =	sbr.rel @p2 .LBB2_5-.Ltmp6, $4  }
0x87: {  	s5 =	sadd.s32 $0x80, s31;
	[sflag:s26] =	ssyncset.done $0x0  }
0x88: {  	[sflag:s26] =	ssyncadd.s32 $0xFFFFC000  }
0x89: {  	[spmem:s2] =	stream.indirect.scatter.add.f32 [tilespmem:s24], [sflag:$0x3], $0x80, s5, s23, $0xb8;
	[tilespmem:$0x1E080] =	vst v63  }
0x8a: {  	s16 =	sadd.s32 $0x2, s16;
	s4 =	sadd.s32 $0x100, s4;
	_ =	swait.ge [sflag:s21], $0x4000  }
.Ltmp7:
0x8b: {  	_ = 	snop;
	(pc) =	sbr.rel .LBB2_6-.Ltmp7, $1  }
0x8c: {  	_ =	sdelay $0x3  }
.LBB2_8:
0x8d: {  	_ =	sfence.sel $0x180000  }
0x8e: {  	[bflag:$0x0] =	sbarrier.arrive $0xFFFF  }
0x8f: {  	_ =	strace $0x90000047  }
0x90: {  	s0 =	stileid.u32;
	[bflag:$0x2] =	sbarrier.arrive $0xFFFF  }
0x91: {  	p0 =	sne.s32 s0, $0x0;
	s0 =	rddreg [dreg:$0x3]  }
0x92: {  	s0 =	sadd.s32 @!p0 $0x100000, s0  }
0x93: {  	[sflag:s0] =	ssyncadd.tile.s32 @!p0 $0x1;
	_ =	shalt  }
.Lfunc_end2:
_tile_overlayer_lowered:
.L_overlay_start_2:
0x94: {  	(tag) =	ssettag $0x2  }
0x95: {  	s0 =	rddreg [dreg:$0x0];
	s2 =	stileid.u32  }
0x96: {  	s1 =	rddreg [dreg:$0x1];
	p0 =	sne.s32 s2, $0x0  }
0x97: {  	s3 =	rddreg [dreg:$0x2];
	[bflag:$0x3] =	sbarrier.arrive $0xFFFF;
	s2 =	simm.s32 @!p0 $0x1C03  }
0x98: {  	[timem:s3], [sflag:s2] =	dma.local @!p0 [hbm:s0], s1  }
0x99: {  	s0 =	simm.s32 @!p0 $0x3  }
0x9a: {  	_ =	swait.ge @!p0 [sflag:s0], s1  }
0x9b: {  	s1 =	ssub.s32 @!p0 $0x0, s1;
	[sflag:s0] =	ssyncset.done @!p0 $0x0  }
0x9c: {  	[sflag:s0] =	ssyncadd.s32 @!p0 s1  }
0x9d: {  	[bflag:$0x3] =	sbarrier.arrive $0xFFFF  }
0x9e: {  	_ =	shalt  }

</sc_bundles>
